<compile_context>
chip_gen: v7x
topology: tpu7x:2x2x1
jax: 0.10.2.dev20260603
libtpu: 0.0.44.dev20260713+nightly
codegen_flags: <defaults>
</compile_context>

<pallas_src>
import functools

import jax
import jax.numpy as jnp
from jax import lax
from jax.experimental import pallas as pl
from jax.experimental.pallas import tpu as pltpu
from jax.experimental.pallas import tpu_sc as plsc

N = 10000
E = 320000
D = 128
H = 8
F = 16
HF = H * F
SLOPE = 0.2

NC = 2
NS = 16
NW = NC * NS
EPT = E // NW
K = 80
CHUNKS = EPT // K
NPAD = 10240
RPT = NPAD // NS

_f32 = jnp.float32


def _lin_body(x_ref, w_ref, b_ref, abig_ref, h_ref, stab_ref):
    h = jnp.dot(x_ref[...], w_ref[...], preferred_element_type=_f32) + b_ref[...]
    h_ref[...] = h
    stab_ref[...] = jnp.dot(h, abig_ref[...], preferred_element_type=_f32)


def _linear(x, w, b2, abig):
    blk = 1000
    return pl.pallas_call(
        _lin_body,
        grid=(N // blk,),
        in_specs=[
            pl.BlockSpec((blk, D), lambda i: (i, 0)),
            pl.BlockSpec((D, HF), lambda i: (0, 0)),
            pl.BlockSpec((1, HF), lambda i: (0, 0)),
            pl.BlockSpec((HF, 128), lambda i: (0, 0)),
        ],
        out_specs=[
            pl.BlockSpec((blk, HF), lambda i: (i, 0)),
            pl.BlockSpec((blk, 128), lambda i: (i, 0)),
        ],
        out_shape=[
            jax.ShapeDtypeStruct((N, HF), _f32),
            jax.ShapeDtypeStruct((N, 128), _f32),
        ],
    )(x, w, b2, abig)


def _mesh():
    return plsc.VectorSubcoreMesh(core_axis_name="c", subcore_axis_name="s")


def _zero_shared_slice(zbuf, shared, sid):
    def zrow(i, _):
        for j in range(8):
            zbuf[i, pl.ds(16 * j, 16)] = jnp.zeros((16,), _f32)
        return 0
    lax.fori_loop(0, 128, zrow, 0)
    for i in range(RPT // 128):
        pltpu.sync_copy(zbuf, shared.at[pl.ds(sid * RPT + i * 128, 128)])


def _scores_body(src_h, tgt_h, stab, ex_out, den_out,
                 tgt_v, src_v, trows, srows, exst, exst128, zbuf, den_sh,
                 sem1, sem2, sem3, sem4):
    cid = lax.axis_index("c")
    sid = lax.axis_index("s")
    wid = cid * NS + sid

    _zero_shared_slice(zbuf, den_sh, sid)
    def zpad(e, _):
        for j in range(1, 8):
            exst128[e, pl.ds(16 * j, 16)] = jnp.zeros((16,), _f32)
        return 0
    lax.fori_loop(0, K, zpad, 0)
    plsc.subcore_barrier()

    lane = lax.iota(jnp.int32, 16)

    def chunk(c, _):
        base = wid * EPT + c * K
        ci1 = pltpu.async_copy(tgt_h.at[pl.ds(base, K)], tgt_v, sem3)
        ci2 = pltpu.async_copy(src_h.at[pl.ds(base, K)], src_v, sem4)
        ci1.wait()
        ci2.wait()
        cp1 = pltpu.async_copy(stab.at[tgt_v], trows, sem1)
        cp2 = pltpu.async_copy(stab.at[src_v], srows, sem2)
        cp1.wait()
        cp2.wait()

        def edge(e, _):
            v = trows[e, pl.ds(0, 16)] + srows[e, pl.ds(16, 16)]
            v = jnp.where(v > 0, v, SLOPE * v)
            v = jnp.exp(v)
            v = jnp.where(lane < 8, v,
                          jnp.where(lane == 8, jnp.ones((16,), _f32),
                                    jnp.zeros((16,), _f32)))
            exst[pl.ds(e * 16, 16)] = v
            exst128[e, pl.ds(0, 16)] = v
            return 0
        lax.fori_loop(0, K, edge, 0)

        ce = pltpu.async_copy(exst, ex_out.at[pl.ds(base * 16, K * 16)], sem3)
        cs = pltpu.async_copy(exst128, den_sh.at[tgt_v], sem4, add=True)
        ce.wait()
        cs.wait()
        return 0

    lax.fori_loop(0, CHUNKS, chunk, 0)
    plsc.subcore_barrier()
    for i in range(RPT // 128):
        pltpu.sync_copy(den_sh.at[pl.ds(sid * RPT + i * 128, 128)],
                        den_out.at[cid, pl.ds(sid * RPT + i * 128, 128)])


def _scores(src, tgt, stab):
    k = functools.partial(
        pl.kernel,
        mesh=_mesh(),
        out_type=[
            jax.ShapeDtypeStruct((E * 16,), _f32),
            jax.ShapeDtypeStruct((NC, NPAD, 128), _f32),
        ],
        scratch_types=[
            pltpu.VMEM((K,), jnp.int32),
            pltpu.VMEM((K,), jnp.int32),
            pltpu.VMEM((K, 128), _f32),
            pltpu.VMEM((K, 128), _f32),
            pltpu.VMEM((K * 16,), _f32),
            pltpu.VMEM((K, 128), _f32),
            pltpu.VMEM((128, 128), _f32),
            pltpu.VMEM_SHARED((NPAD, 128), _f32),
            pltpu.SemaphoreType.DMA,
            pltpu.SemaphoreType.DMA,
            pltpu.SemaphoreType.DMA,
            pltpu.SemaphoreType.DMA,
        ],
    )(_scores_body)
    return k(src, tgt, stab)


def _agg_body(src_h, tgt_h, h, ex, out_hbm,
              tgt_v, src_v, hrows, ex_v, zbuf, out_sh,
              sem1, sem2, sem3, sem4):
    cid = lax.axis_index("c")
    sid = lax.axis_index("s")
    wid = cid * NS + sid

    _zero_shared_slice(zbuf, out_sh, sid)
    plsc.subcore_barrier()

    def chunk(c, _):
        base = wid * EPT + c * K
        ci1 = pltpu.async_copy(tgt_h.at[pl.ds(base, K)], tgt_v, sem2)
        ci2 = pltpu.async_copy(src_h.at[pl.ds(base, K)], src_v, sem3)
        ci2.wait()
        cp1 = pltpu.async_copy(h.at[src_v], hrows, sem1)
        cp2 = pltpu.async_copy(ex.at[pl.ds(base * 16, K * 16)], ex_v, sem4)
        ci1.wait()
        cp2.wait()
        cp1.wait()

        def edge(e, _):
            alpha = ex_v[pl.ds(e * 16, 16)]
            for j in range(8):
                a_s = alpha[j]
                hrows[e, pl.ds(16 * j, 16)] = hrows[e, pl.ds(16 * j, 16)] * a_s
            return 0
        lax.fori_loop(0, K, edge, 0)

        pltpu.sync_copy(hrows, out_sh.at[tgt_v], add=True)
        return 0

    lax.fori_loop(0, CHUNKS, chunk, 0)
    plsc.subcore_barrier()
    for i in range(RPT // 128):
        pltpu.sync_copy(out_sh.at[pl.ds(sid * RPT + i * 128, 128)],
                        out_hbm.at[cid, pl.ds(sid * RPT + i * 128, 128)])


def _aggregate(src, tgt, h, ex):
    k = functools.partial(
        pl.kernel,
        mesh=_mesh(),
        out_type=jax.ShapeDtypeStruct((NC, NPAD, HF), _f32),
        scratch_types=[
            pltpu.VMEM((K,), jnp.int32),
            pltpu.VMEM((K,), jnp.int32),
            pltpu.VMEM((K, HF), _f32),
            pltpu.VMEM((K * 16,), _f32),
            pltpu.VMEM((128, HF), _f32),
            pltpu.VMEM_SHARED((NPAD, HF), _f32),
            pltpu.SemaphoreType.DMA,
            pltpu.SemaphoreType.DMA,
            pltpu.SemaphoreType.DMA,
            pltpu.SemaphoreType.DMA,
        ],
    )(_agg_body)
    return k(src, tgt, h, ex)


def _fin_body(p0_ref, p1_ref, d0_ref, d1_ref, h_ref, bb_ref, bd_ref, o_ref):
    d = d0_ref[...] + d1_ref[...]
    lane = lax.broadcasted_iota(jnp.int32, d.shape, 1)
    rinv = jnp.where(lane < 8, 1.0 / (d + 1e-16), 0.0)
    degc = jnp.where(lane == 8, d, 0.0)
    rb = jnp.dot(rinv, bb_ref[...], preferred_element_type=_f32)
    db = jnp.dot(degc, bd_ref[...], preferred_element_type=_f32)
    y = (p0_ref[...] + p1_ref[...]) * rb + db * h_ref[...]
    o_ref[...] = jnp.where(y > 0, y, jnp.exp(y) - 1.0)


def _final(p0, p1, d0, d1, h, bb, bd):
    blk = 1000
    return pl.pallas_call(
        _fin_body,
        grid=(N // blk,),
        in_specs=[
            pl.BlockSpec((blk, HF), lambda i: (i, 0)),
            pl.BlockSpec((blk, HF), lambda i: (i, 0)),
            pl.BlockSpec((blk, 128), lambda i: (i, 0)),
            pl.BlockSpec((blk, 128), lambda i: (i, 0)),
            pl.BlockSpec((blk, HF), lambda i: (i, 0)),
            pl.BlockSpec((128, 128), lambda i: (0, 0)),
            pl.BlockSpec((128, 128), lambda i: (0, 0)),
        ],
        out_specs=pl.BlockSpec((blk, HF), lambda i: (i, 0)),
        out_shape=jax.ShapeDtypeStruct((N, HF), _f32),
    )(p0, p1, d0, d1, h, bb, bd)


def kernel(node_features, edge_index, W, b, a):
    f_idx = jnp.arange(HF) % F
    h_idx = jnp.arange(HF) // F
    oh = jax.nn.one_hot(h_idx, H, dtype=_f32)
    a1 = oh * a[:F][f_idx][:, None]
    a2 = oh * a[F:][f_idx][:, None]
    abig = jnp.concatenate(
        [a1, a2, a2, a1, jnp.zeros((HF, 96), _f32)], axis=1)

    li = jnp.arange(128)
    bb = jnp.where((jnp.arange(128)[:, None] < 8)
                   & ((li[None, :] // 16) == jnp.arange(128)[:, None]),
                   1.0, 0.0).astype(_f32)
    bd = jnp.where(jnp.arange(128)[:, None] == 8, 1.0, 0.0).astype(_f32)

    src = edge_index[0]
    tgt = edge_index[1]
    h, stab = _linear(node_features, W, b.reshape(1, HF), abig)
    ex, den = _scores(src, tgt, stab)
    part = _aggregate(src, tgt, h, ex)
    return _final(part[0], part[1], den[0, 0:N], den[1, 0:N], h, bb, bd)

# --- scband reference (transcript-rebuilt; emitter-appended) ---
"""Pipeline reference for scband-multi-head-gatlayer-24575802867851 (READ-ONLY COPY).

The authoritative reference and input builder live on the scoring server;
editing this copy changes nothing except your own understanding.
"""

import jax, jax.numpy as jnp
import numpy as np

N = 10000   # nodes
E = 320000  # edges
D = 128     # input features
H = 8       # heads
F = 16      # out features per head
SLOPE = 0.2


def setup_inputs(seed: int = 0) -> dict:
    key = jax.random.key(seed)
    k1, k2, k3, k4 = jax.random.split(key, 4)
    node_features = jax.random.normal(k1, (N, D), dtype=jnp.float32)
    edge_index = jax.random.randint(k2, (2, E), 0, N, dtype=jnp.int32)
    # target_w == neighbor_w (share_weights=True): Linear(D, H*F) with bias
    W = jax.random.normal(k3, (D, H * F), dtype=jnp.float32) * 0.05
    b = jnp.zeros((H * F,), dtype=jnp.float32)
    # attn: Linear(2*F, 1, bias=False), applied per-head
    a = jax.random.normal(k4, (2 * F,), dtype=jnp.float32) * 0.05
    return {"node_features": node_features, "edge_index": edge_index, "W": W, "b": b, "a": a}


def _elu(x):
    return jnp.where(x > 0, x, jnp.expm1(x))


def reference(node_features, edge_index, W, b, a):
    src = edge_index[0]
    tgt = edge_index[1]
    # shared linear transform, gathered per edge
    h_i = (node_features[tgt] @ W + b).reshape(-1, H, F)  # (E, H, F)
    h_j = (node_features[src] @ W + b).reshape(-1, H, F)  # (E, H, F)
    h_concat = jnp.concatenate([h_i, h_j], axis=-1)       # (E, H, 2F)
    e = h_concat @ a                                      # (E, H)
    e = jnp.where(e > 0, e, SLOPE * e)                    # LeakyReLU
    # scatter softmax over target nodes (per head), numerically stable
    m = jax.ops.segment_max(e, tgt, num_segments=N)       # (N, H)
    ex = jnp.exp(e - m[tgt])
    s = jax.ops.segment_sum(ex, tgt, num_segments=N)      # (N, H)
    alpha = ex / (s[tgt] + 1e-16)                         # (E, H)
    # dropout p=0 -> identity
    message = alpha[..., None] * h_j                      # (E, H, F)
    message = message + h_i                               # skip connection
    out = jax.ops.segment_sum(message, tgt, num_segments=N)  # (N, H, F)
    out = out.reshape(N, H * F)                           # concat heads
    out = _elu(out)                                       # apply_act
    return out

if __name__ == "__main__":
    import jax
    _d = setup_inputs()
    print(jax.jit(kernel)(*tuple(_d.values())))

</pallas_src>

<mosaic_0001>
#map = affine_map<(d0, d1) -> (0)>
#map1 = affine_map<(d0, d1) -> (0, 0)>
#map2 = affine_map<(d0, d1) -> (0, 0, 0)>
module attributes {stable_mosaic.version = 14 : i64} {
  func.func @_scores_body(%arg0: i32, %arg1: i32, %arg2: memref<320000xi32, #tpu.memory_space<hbm>>, %arg3: memref<320000xi32, #tpu.memory_space<hbm>>, %arg4: memref<10000x128xf32, #tpu.memory_space<hbm>>, %arg5: memref<5120000xf32, #tpu.memory_space<hbm>>, %arg6: memref<2x10240x128xf32, #tpu.memory_space<hbm>>, %arg7: memref<80xi32, #tpu.memory_space<vmem>>, %arg8: memref<80xi32, #tpu.memory_space<vmem>>, %arg9: memref<80x128xf32, #tpu.memory_space<vmem>>, %arg10: memref<80x128xf32, #tpu.memory_space<vmem>>, %arg11: memref<1280xf32, #tpu.memory_space<vmem>>, %arg12: memref<80x128xf32, #tpu.memory_space<vmem>>, %arg13: memref<128x128xf32, #tpu.memory_space<vmem>>, %arg14: memref<10240x128xf32, #tpu.memory_space<vmem_shared>>, %arg15: memref<!tpu.dma_semaphore, #tpu.memory_space<semaphore_mem>>, %arg16: memref<!tpu.dma_semaphore, #tpu.memory_space<semaphore_mem>>, %arg17: memref<!tpu.dma_semaphore, #tpu.memory_space<semaphore_mem>>, %arg18: memref<!tpu.dma_semaphore, #tpu.memory_space<semaphore_mem>>) attributes {dimension_semantics = [#tpu.dimension_semantics<core_parallel>, #tpu.dimension_semantics<subcore_parallel>], iteration_bounds = array<i64: 2, 16>, scalar_prefetch = 0 : i64, scratch_operands = 12 : i64, tpu.core_type = #tpu.core_type<sc_vector_subcore>, window_params = [{transform_indices = #map}, {transform_indices = #map}, {transform_indices = #map1}, {transform_indices = #map}, {transform_indices = #map2}]} {
    %mul3A = arith.constant 16 : i32
    %mul3A_0 = arith.muli %arg0, %mul3A : i32
    %add3A = arith.addi %mul3A_0, %arg1 : i32
    %scan3A = arith.constant 0 : i32
    %scan3A_1 = arith.constant 0 : i32
    %scan3A_2 = arith.constant 128 : i32
    %scan3A_3 = arith.addi %scan3A_1, %scan3A_2 : i32
    %scan3A_4 = arith.constant 1 : i32
    %scan3A_5 = scf.for %scan3A_82 = %scan3A_1 to %scan3A_3 step %scan3A_4 iter_args(%scan3A_83 = %scan3A) -> (i32)  : i32 {
      %broadcast_in_dim3A = arith.constant 0.000000e+00 : f32
      %broadcast_in_dim3A_84 = vector.broadcast %broadcast_in_dim3A : f32 to vector<16xf32>
      %swap3A = arith.index_cast %scan3A_82 : i32 to index
      %swap3A_85 = arith.constant 0 : index
      %swap3A_86 = tpu.vector_load %arg13[%swap3A, %swap3A_85] {strides = array<i32>} : memref<128x128xf32, #tpu.memory_space<vmem>>, vector<1x16xf32>,
      %swap3A_87 = vector.shape_cast %swap3A_86 : vector<1x16xf32> to vector<16xf32>
      %swap3A_88 = vector.shape_cast %broadcast_in_dim3A_84 : vector<16xf32> to vector<1x16xf32>
      tpu.vector_store %arg13[%swap3A, %swap3A_85], %swap3A_88 {strides = array<i32>} : memref<128x128xf32, #tpu.memory_space<vmem>>, vector<1x16xf32>,
      %broadcast_in_dim3A_89 = arith.constant 0.000000e+00 : f32
      %broadcast_in_dim3A_90 = vector.broadcast %broadcast_in_dim3A_89 : f32 to vector<16xf32>
      %swap3A_91 = arith.index_cast %scan3A_82 : i32 to index
      %swap3A_92 = arith.constant 16 : index
      %swap3A_93 = tpu.vector_load %arg13[%swap3A_91, %swap3A_92] {strides = array<i32>} : memref<128x128xf32, #tpu.memory_space<vmem>>, vector<1x16xf32>,
      %swap3A_94 = vector.shape_cast %swap3A_93 : vector<1x16xf32> to vector<16xf32>
      %swap3A_95 = vector.shape_cast %broadcast_in_dim3A_90 : vector<16xf32> to vector<1x16xf32>
      tpu.vector_store %arg13[%swap3A_91, %swap3A_92], %swap3A_95 {strides = array<i32>} : memref<128x128xf32, #tpu.memory_space<vmem>>, vector<1x16xf32>,
      %broadcast_in_dim3A_96 = arith.constant 0.000000e+00 : f32
      %broadcast_in_dim3A_97 = vector.broadcast %broadcast_in_dim3A_96 : f32 to vector<16xf32>
      %swap3A_98 = arith.index_cast %scan3A_82 : i32 to index
      %swap3A_99 = arith.constant 32 : index
      %swap3A_100 = tpu.vector_load %arg13[%swap3A_98, %swap3A_99] {strides = array<i32>} : memref<128x128xf32, #tpu.memory_space<vmem>>, vector<1x16xf32>,
      %swap3A_101 = vector.shape_cast %swap3A_100 : vector<1x16xf32> to vector<16xf32>
      %swap3A_102 = vector.shape_cast %broadcast_in_dim3A_97 : vector<16xf32> to vector<1x16xf32>
      tpu.vector_store %arg13[%swap3A_98, %swap3A_99], %swap3A_102 {strides = array<i32>} : memref<128x128xf32, #tpu.memory_space<vmem>>, vector<1x16xf32>,
      %broadcast_in_dim3A_103 = arith.constant 0.000000e+00 : f32
      %broadcast_in_dim3A_104 = vector.broadcast %broadcast_in_dim3A_103 : f32 to vector<16xf32>
      %swap3A_105 = arith.index_cast %scan3A_82 : i32 to index
      %swap3A_106 = arith.constant 48 : index
      %swap3A_107 = tpu.vector_load %arg13[%swap3A_105, %swap3A_106] {strides = array<i32>} : memref<128x128xf32, #tpu.memory_space<vmem>>, vector<1x16xf32>,
      %swap3A_108 = vector.shape_cast %swap3A_107 : vector<1x16xf32> to vector<16xf32>
      %swap3A_109 = vector.shape_cast %broadcast_in_dim3A_104 : vector<16xf32> to vector<1x16xf32>
      tpu.vector_store %arg13[%swap3A_105, %swap3A_106], %swap3A_109 {strides = array<i32>} : memref<128x128xf32, #tpu.memory_space<vmem>>, vector<1x16xf32>,
      %broadcast_in_dim3A_110 = arith.constant 0.000000e+00 : f32
      %broadcast_in_dim3A_111 = vector.broadcast %broadcast_in_dim3A_110 : f32 to vector<16xf32>
      %swap3A_112 = arith.index_cast %scan3A_82 : i32 to index
      %swap3A_113 = arith.constant 64 : index
      %swap3A_114 = tpu.vector_load %arg13[%swap3A_112, %swap3A_113] {strides = array<i32>} : memref<128x128xf32, #tpu.memory_space<vmem>>, vector<1x16xf32>,
      %swap3A_115 = vector.shape_cast %swap3A_114 : vector<1x16xf32> to vector<16xf32>
      %swap3A_116 = vector.shape_cast %broadcast_in_dim3A_111 : vector<16xf32> to vector<1x16xf32>
      tpu.vector_store %arg13[%swap3A_112, %swap3A_113], %swap3A_116 {strides = array<i32>} : memref<128x128xf32, #tpu.memory_space<vmem>>, vector<1x16xf32>,
      %broadcast_in_dim3A_117 = arith.constant 0.000000e+00 : f32
      %broadcast_in_dim3A_118 = vector.broadcast %broadcast_in_dim3A_117 : f32 to vector<16xf32>
      %swap3A_119 = arith.index_cast %scan3A_82 : i32 to index
      %swap3A_120 = arith.constant 80 : index
      %swap3A_121 = tpu.vector_load %arg13[%swap3A_119, %swap3A_120] {strides = array<i32>} : memref<128x128xf32, #tpu.memory_space<vmem>>, vector<1x16xf32>,
      %swap3A_122 = vector.shape_cast %swap3A_121 : vector<1x16xf32> to vector<16xf32>
      %swap3A_123 = vector.shape_cast %broadcast_in_dim3A_118 : vector<16xf32> to vector<1x16xf32>
      tpu.vector_store %arg13[%swap3A_119, %swap3A_120], %swap3A_123 {strides = array<i32>} : memref<128x128xf32, #tpu.memory_space<vmem>>, vector<1x16xf32>,
      %broadcast_in_dim3A_124 = arith.constant 0.000000e+00 : f32
      %broadcast_in_dim3A_125 = vector.broadcast %broadcast_in_dim3A_124 : f32 to vector<16xf32>
      %swap3A_126 = arith.index_cast %scan3A_82 : i32 to index
      %swap3A_127 = arith.constant 96 : index
      %swap3A_128 = tpu.vector_load %arg13[%swap3A_126, %swap3A_127] {strides = array<i32>} : memref<128x128xf32, #tpu.memory_space<vmem>>, vector<1x16xf32>,
      %swap3A_129 = vector.shape_cast %swap3A_128 : vector<1x16xf32> to vector<16xf32>
      %swap3A_130 = vector.shape_cast %broadcast_in_dim3A_125 : vector<16xf32> to vector<1x16xf32>
      tpu.vector_store %arg13[%swap3A_126, %swap3A_127], %swap3A_130 {strides = array<i32>} : memref<128x128xf32, #tpu.memory_space<vmem>>, vector<1x16xf32>,
      %broadcast_in_dim3A_131 = arith.constant 0.000000e+00 : f32
      %broadcast_in_dim3A_132 = vector.broadcast %broadcast_in_dim3A_131 : f32 to vector<16xf32>
      %swap3A_133 = arith.index_cast %scan3A_82 : i32 to index
      %swap3A_134 = arith.constant 112 : index
      %swap3A_135 = tpu.vector_load %arg13[%swap3A_133, %swap3A_134] {strides = array<i32>} : memref<128x128xf32, #tpu.memory_space<vmem>>, vector<1x16xf32>,
      %swap3A_136 = vector.shape_cast %swap3A_135 : vector<1x16xf32> to vector<16xf32>
      %swap3A_137 = vector.shape_cast %broadcast_in_dim3A_132 : vector<16xf32> to vector<1x16xf32>
      tpu.vector_store %arg13[%swap3A_133, %swap3A_134], %swap3A_137 {strides = array<i32>} : memref<128x128xf32, #tpu.memory_space<vmem>>, vector<1x16xf32>,
      %scan3A_138 = arith.constant 0 : i32
      scf.yield %scan3A_138 : i32
    }
    %scan3A_6 = arith.constant 128 : i32
    %mul3A_7 = arith.constant 640 : i32
    %mul3A_8 = arith.muli %arg1, %mul3A_7 : i32
    %add3A_9 = arith.constant 0 : i32
    %add3A_10 = arith.addi %mul3A_8, %add3A_9 : i32
    "tpu.region"() ({
      %run_scoped3A = tpu.sem_alloc : memref<!tpu.dma_semaphore, #tpu.memory_space<semaphore_mem>>
      %dma_start3A = arith.constant 0 : i32
      %dma_start3A_82 = tpu.memref_slice %arg14[%add3A_10, %dma_start3A] : memref<10240x128xf32, #tpu.memory_space<vmem_shared>> -> memref<128x128xf32, #tpu.memory_space<vmem_shared>>
      %dma_start3A_83 = arith.constant 0 : i32
      %dma_start3A_84 = tpu.memref_slice %arg14[%add3A_10, %dma_start3A_83] : memref<10240x128xf32, #tpu.memory_space<vmem_shared>> -> memref<128x128xf32, #tpu.memory_space<vmem_shared>>
      tpu.enqueue_dma source(%arg13 : memref<128x128xf32, #tpu.memory_space<vmem>>) target(%dma_start3A_84 : memref<128x128xf32, #tpu.memory_space<vmem_shared>>) target_semaphore(%run_scoped3A : memref<!tpu.dma_semaphore, #tpu.memory_space<semaphore_mem>>)
      %dma_wait3A = arith.constant 0 : i32
      %dma_wait3A_85 = tpu.memref_slice %arg14[%add3A_10, %dma_wait3A] : memref<10240x128xf32, #tpu.memory_space<vmem_shared>> -> memref<128x128xf32, #tpu.memory_space<vmem_shared>>
      %dma_wait3A_86 = arith.constant 0 : i32
      %dma_wait3A_87 = tpu.memref_slice %arg14[%add3A_10, %dma_wait3A_86] : memref<10240x128xf32, #tpu.memory_space<vmem_shared>> -> memref<128x128xf32, #tpu.memory_space<vmem_shared>>
      tpu.wait_dma2 semaphore(%run_scoped3A : memref<!tpu.dma_semaphore, #tpu.memory_space<semaphore_mem>>) src(%arg13 : memref<128x128xf32, #tpu.memory_space<vmem>>) dst(%dma_wait3A_87 : memref<128x128xf32, #tpu.memory_space<vmem_shared>>)
      tpu.yield
    }) : () -> ()
    %mul3A_11 = arith.constant 640 : i32
    %mul3A_12 = arith.muli %arg1, %mul3A_11 : i32
    %add3A_13 = arith.constant 128 : i32
    %add3A_14 = arith.addi %mul3A_12, %add3A_13 : i32
    "tpu.region"() ({
      %run_scoped3A = tpu.sem_alloc : memref<!tpu.dma_semaphore, #tpu.memory_space<semaphore_mem>>
      %dma_start3A = arith.constant 0 : i32
      %dma_start3A_82 = tpu.memref_slice %arg14[%add3A_14, %dma_start3A] : memref<10240x128xf32, #tpu.memory_space<vmem_shared>> -> memref<128x128xf32, #tpu.memory_space<vmem_shared>>
      %dma_start3A_83 = arith.constant 0 : i32
      %dma_start3A_84 = tpu.memref_slice %arg14[%add3A_14, %dma_start3A_83] : memref<10240x128xf32, #tpu.memory_space<vmem_shared>> -> memref<128x128xf32, #tpu.memory_space<vmem_shared>>
      tpu.enqueue_dma source(%arg13 : memref<128x128xf32, #tpu.memory_space<vmem>>) target(%dma_start3A_84 : memref<128x128xf32, #tpu.memory_space<vmem_shared>>) target_semaphore(%run_scoped3A : memref<!tpu.dma_semaphore, #tpu.memory_space<semaphore_mem>>)
      %dma_wait3A = arith.constant 0 : i32
      %dma_wait3A_85 = tpu.memref_slice %arg14[%add3A_14, %dma_wait3A] : memref<10240x128xf32, #tpu.memory_space<vmem_shared>> -> memref<128x128xf32, #tpu.memory_space<vmem_shared>>
      %dma_wait3A_86 = arith.constant 0 : i32
      %dma_wait3A_87 = tpu.memref_slice %arg14[%add3A_14, %dma_wait3A_86] : memref<10240x128xf32, #tpu.memory_space<vmem_shared>> -> memref<128x128xf32, #tpu.memory_space<vmem_shared>>
      tpu.wait_dma2 semaphore(%run_scoped3A : memref<!tpu.dma_semaphore, #tpu.memory_space<semaphore_mem>>) src(%arg13 : memref<128x128xf32, #tpu.memory_space<vmem>>) dst(%dma_wait3A_87 : memref<128x128xf32, #tpu.memory_space<vmem_shared>>)
      tpu.yield
    }) : () -> ()
    %mul3A_15 = arith.constant 640 : i32
    %mul3A_16 = arith.muli %arg1, %mul3A_15 : i32
    %add3A_17 = arith.constant 256 : i32
    %add3A_18 = arith.addi %mul3A_16, %add3A_17 : i32
    "tpu.region"() ({
      %run_scoped3A = tpu.sem_alloc : memref<!tpu.dma_semaphore, #tpu.memory_space<semaphore_mem>>
      %dma_start3A = arith.constant 0 : i32
      %dma_start3A_82 = tpu.memref_slice %arg14[%add3A_18, %dma_start3A] : memref<10240x128xf32, #tpu.memory_space<vmem_shared>> -> memref<128x128xf32, #tpu.memory_space<vmem_shared>>
      %dma_start3A_83 = arith.constant 0 : i32
      %dma_start3A_84 = tpu.memref_slice %arg14[%add3A_18, %dma_start3A_83] : memref<10240x128xf32, #tpu.memory_space<vmem_shared>> -> memref<128x128xf32, #tpu.memory_space<vmem_shared>>
      tpu.enqueue_dma source(%arg13 : memref<128x128xf32, #tpu.memory_space<vmem>>) target(%dma_start3A_84 : memref<128x128xf32, #tpu.memory_space<vmem_shared>>) target_semaphore(%run_scoped3A : memref<!tpu.dma_semaphore, #tpu.memory_space<semaphore_mem>>)
      %dma_wait3A = arith.constant 0 : i32
      %dma_wait3A_85 = tpu.memref_slice %arg14[%add3A_18, %dma_wait3A] : memref<10240x128xf32, #tpu.memory_space<vmem_shared>> -> memref<128x128xf32, #tpu.memory_space<vmem_shared>>
      %dma_wait3A_86 = arith.constant 0 : i32
      %dma_wait3A_87 = tpu.memref_slice %arg14[%add3A_18, %dma_wait3A_86] : memref<10240x128xf32, #tpu.memory_space<vmem_shared>> -> memref<128x128xf32, #tpu.memory_space<vmem_shared>>
      tpu.wait_dma2 semaphore(%run_scoped3A : memref<!tpu.dma_semaphore, #tpu.memory_space<semaphore_mem>>) src(%arg13 : memref<128x128xf32, #tpu.memory_space<vmem>>) dst(%dma_wait3A_87 : memref<128x128xf32, #tpu.memory_space<vmem_shared>>)
      tpu.yield
    }) : () -> ()
    %mul3A_19 = arith.constant 640 : i32
    %mul3A_20 = arith.muli %arg1, %mul3A_19 : i32
    %add3A_21 = arith.constant 384 : i32
    %add3A_22 = arith.addi %mul3A_20, %add3A_21 : i32
    "tpu.region"() ({
      %run_scoped3A = tpu.sem_alloc : memref<!tpu.dma_semaphore, #tpu.memory_space<semaphore_mem>>
      %dma_start3A = arith.constant 0 : i32
      %dma_start3A_82 = tpu.memref_slice %arg14[%add3A_22, %dma_start3A] : memref<10240x128xf32, #tpu.memory_space<vmem_shared>> -> memref<128x128xf32, #tpu.memory_space<vmem_shared>>
      %dma_start3A_83 = arith.constant 0 : i32
      %dma_start3A_84 = tpu.memref_slice %arg14[%add3A_22, %dma_start3A_83] : memref<10240x128xf32, #tpu.memory_space<vmem_shared>> -> memref<128x128xf32, #tpu.memory_space<vmem_shared>>
      tpu.enqueue_dma source(%arg13 : memref<128x128xf32, #tpu.memory_space<vmem>>) target(%dma_start3A_84 : memref<128x128xf32, #tpu.memory_space<vmem_shared>>) target_semaphore(%run_scoped3A : memref<!tpu.dma_semaphore, #tpu.memory_space<semaphore_mem>>)
      %dma_wait3A = arith.constant 0 : i32
      %dma_wait3A_85 = tpu.memref_slice %arg14[%add3A_22, %dma_wait3A] : memref<10240x128xf32, #tpu.memory_space<vmem_shared>> -> memref<128x128xf32, #tpu.memory_space<vmem_shared>>
      %dma_wait3A_86 = arith.constant 0 : i32
      %dma_wait3A_87 = tpu.memref_slice %arg14[%add3A_22, %dma_wait3A_86] : memref<10240x128xf32, #tpu.memory_space<vmem_shared>> -> memref<128x128xf32, #tpu.memory_space<vmem_shared>>
      tpu.wait_dma2 semaphore(%run_scoped3A : memref<!tpu.dma_semaphore, #tpu.memory_space<semaphore_mem>>) src(%arg13 : memref<128x128xf32, #tpu.memory_space<vmem>>) dst(%dma_wait3A_87 : memref<128x128xf32, #tpu.memory_space<vmem_shared>>)
      tpu.yield
    }) : () -> ()
    %mul3A_23 = arith.constant 640 : i32
    %mul3A_24 = arith.muli %arg1, %mul3A_23 : i32
    %add3A_25 = arith.constant 512 : i32
    %add3A_26 = arith.addi %mul3A_24, %add3A_25 : i32
    "tpu.region"() ({
      %run_scoped3A = tpu.sem_alloc : memref<!tpu.dma_semaphore, #tpu.memory_space<semaphore_mem>>
      %dma_start3A = arith.constant 0 : i32
      %dma_start3A_82 = tpu.memref_slice %arg14[%add3A_26, %dma_start3A] : memref<10240x128xf32, #tpu.memory_space<vmem_shared>> -> memref<128x128xf32, #tpu.memory_space<vmem_shared>>
      %dma_start3A_83 = arith.constant 0 : i32
      %dma_start3A_84 = tpu.memref_slice %arg14[%add3A_26, %dma_start3A_83] : memref<10240x128xf32, #tpu.memory_space<vmem_shared>> -> memref<128x128xf32, #tpu.memory_space<vmem_shared>>
      tpu.enqueue_dma source(%arg13 : memref<128x128xf32, #tpu.memory_space<vmem>>) target(%dma_start3A_84 : memref<128x128xf32, #tpu.memory_space<vmem_shared>>) target_semaphore(%run_scoped3A : memref<!tpu.dma_semaphore, #tpu.memory_space<semaphore_mem>>)
      %dma_wait3A = arith.constant 0 : i32
      %dma_wait3A_85 = tpu.memref_slice %arg14[%add3A_26, %dma_wait3A] : memref<10240x128xf32, #tpu.memory_space<vmem_shared>> -> memref<128x128xf32, #tpu.memory_space<vmem_shared>>
      %dma_wait3A_86 = arith.constant 0 : i32
      %dma_wait3A_87 = tpu.memref_slice %arg14[%add3A_26, %dma_wait3A_86] : memref<10240x128xf32, #tpu.memory_space<vmem_shared>> -> memref<128x128xf32, #tpu.memory_space<vmem_shared>>
      tpu.wait_dma2 semaphore(%run_scoped3A : memref<!tpu.dma_semaphore, #tpu.memory_space<semaphore_mem>>) src(%arg13 : memref<128x128xf32, #tpu.memory_space<vmem>>) dst(%dma_wait3A_87 : memref<128x128xf32, #tpu.memory_space<vmem_shared>>)
      tpu.yield
    }) : () -> ()
    %scan3A_27 = arith.constant 0 : i32
    %scan3A_28 = arith.constant 0 : i32
    %scan3A_29 = arith.constant 80 : i32
    %scan3A_30 = arith.addi %scan3A_28, %scan3A_29 : i32
    %scan3A_31 = arith.constant 1 : i32
    %scan3A_32 = scf.for %scan3A_82 = %scan3A_28 to %scan3A_30 step %scan3A_31 iter_args(%scan3A_83 = %scan3A_27) -> (i32)  : i32 {
      %broadcast_in_dim3A = arith.constant 0.000000e+00 : f32
      %broadcast_in_dim3A_84 = vector.broadcast %broadcast_in_dim3A : f32 to vector<16xf32>
      %swap3A = arith.index_cast %scan3A_82 : i32 to index
      %swap3A_85 = arith.constant 16 : index
      %swap3A_86 = tpu.vector_load %arg12[%swap3A, %swap3A_85] {strides = array<i32>} : memref<80x128xf32, #tpu.memory_space<vmem>>, vector<1x16xf32>,
      %swap3A_87 = vector.shape_cast %swap3A_86 : vector<1x16xf32> to vector<16xf32>
      %swap3A_88 = vector.shape_cast %broadcast_in_dim3A_84 : vector<16xf32> to vector<1x16xf32>
      tpu.vector_store %arg12[%swap3A, %swap3A_85], %swap3A_88 {strides = array<i32>} : memref<80x128xf32, #tpu.memory_space<vmem>>, vector<1x16xf32>,
      %broadcast_in_dim3A_89 = arith.constant 0.000000e+00 : f32
      %broadcast_in_dim3A_90 = vector.broadcast %broadcast_in_dim3A_89 : f32 to vector<16xf32>
      %swap3A_91 = arith.index_cast %scan3A_82 : i32 to index
      %swap3A_92 = arith.constant 32 : index
      %swap3A_93 = tpu.vector_load %arg12[%swap3A_91, %swap3A_92] {strides = array<i32>} : memref<80x128xf32, #tpu.memory_space<vmem>>, vector<1x16xf32>,
      %swap3A_94 = vector.shape_cast %swap3A_93 : vector<1x16xf32> to vector<16xf32>
      %swap3A_95 = vector.shape_cast %broadcast_in_dim3A_90 : vector<16xf32> to vector<1x16xf32>
      tpu.vector_store %arg12[%swap3A_91, %swap3A_92], %swap3A_95 {strides = array<i32>} : memref<80x128xf32, #tpu.memory_space<vmem>>, vector<1x16xf32>,
      %broadcast_in_dim3A_96 = arith.constant 0.000000e+00 : f32
      %broadcast_in_dim3A_97 = vector.broadcast %broadcast_in_dim3A_96 : f32 to vector<16xf32>
      %swap3A_98 = arith.index_cast %scan3A_82 : i32 to index
      %swap3A_99 = arith.constant 48 : index
      %swap3A_100 = tpu.vector_load %arg12[%swap3A_98, %swap3A_99] {strides = array<i32>} : memref<80x128xf32, #tpu.memory_space<vmem>>, vector<1x16xf32>,
      %swap3A_101 = vector.shape_cast %swap3A_100 : vector<1x16xf32> to vector<16xf32>
      %swap3A_102 = vector.shape_cast %broadcast_in_dim3A_97 : vector<16xf32> to vector<1x16xf32>
      tpu.vector_store %arg12[%swap3A_98, %swap3A_99], %swap3A_102 {strides = array<i32>} : memref<80x128xf32, #tpu.memory_space<vmem>>, vector<1x16xf32>,
      %broadcast_in_dim3A_103 = arith.constant 0.000000e+00 : f32
      %broadcast_in_dim3A_104 = vector.broadcast %broadcast_in_dim3A_103 : f32 to vector<16xf32>
      %swap3A_105 = arith.index_cast %scan3A_82 : i32 to index
      %swap3A_106 = arith.constant 64 : index
      %swap3A_107 = tpu.vector_load %arg12[%swap3A_105, %swap3A_106] {strides = array<i32>} : memref<80x128xf32, #tpu.memory_space<vmem>>, vector<1x16xf32>,
      %swap3A_108 = vector.shape_cast %swap3A_107 : vector<1x16xf32> to vector<16xf32>
      %swap3A_109 = vector.shape_cast %broadcast_in_dim3A_104 : vector<16xf32> to vector<1x16xf32>
      tpu.vector_store %arg12[%swap3A_105, %swap3A_106], %swap3A_109 {strides = array<i32>} : memref<80x128xf32, #tpu.memory_space<vmem>>, vector<1x16xf32>,
      %broadcast_in_dim3A_110 = arith.constant 0.000000e+00 : f32
      %broadcast_in_dim3A_111 = vector.broadcast %broadcast_in_dim3A_110 : f32 to vector<16xf32>
      %swap3A_112 = arith.index_cast %scan3A_82 : i32 to index
      %swap3A_113 = arith.constant 80 : index
      %swap3A_114 = tpu.vector_load %arg12[%swap3A_112, %swap3A_113] {strides = array<i32>} : memref<80x128xf32, #tpu.memory_space<vmem>>, vector<1x16xf32>,
      %swap3A_115 = vector.shape_cast %swap3A_114 : vector<1x16xf32> to vector<16xf32>
      %swap3A_116 = vector.shape_cast %broadcast_in_dim3A_111 : vector<16xf32> to vector<1x16xf32>
      tpu.vector_store %arg12[%swap3A_112, %swap3A_113], %swap3A_116 {strides = array<i32>} : memref<80x128xf32, #tpu.memory_space<vmem>>, vector<1x16xf32>,
      %broadcast_in_dim3A_117 = arith.constant 0.000000e+00 : f32
      %broadcast_in_dim3A_118 = vector.broadcast %broadcast_in_dim3A_117 : f32 to vector<16xf32>
      %swap3A_119 = arith.index_cast %scan3A_82 : i32 to index
      %swap3A_120 = arith.constant 96 : index
      %swap3A_121 = tpu.vector_load %arg12[%swap3A_119, %swap3A_120] {strides = array<i32>} : memref<80x128xf32, #tpu.memory_space<vmem>>, vector<1x16xf32>,
      %swap3A_122 = vector.shape_cast %swap3A_121 : vector<1x16xf32> to vector<16xf32>
      %swap3A_123 = vector.shape_cast %broadcast_in_dim3A_118 : vector<16xf32> to vector<1x16xf32>
      tpu.vector_store %arg12[%swap3A_119, %swap3A_120], %swap3A_123 {strides = array<i32>} : memref<80x128xf32, #tpu.memory_space<vmem>>, vector<1x16xf32>,
      %broadcast_in_dim3A_124 = arith.constant 0.000000e+00 : f32
      %broadcast_in_dim3A_125 = vector.broadcast %broadcast_in_dim3A_124 : f32 to vector<16xf32>
      %swap3A_126 = arith.index_cast %scan3A_82 : i32 to index
      %swap3A_127 = arith.constant 112 : index
      %swap3A_128 = tpu.vector_load %arg12[%swap3A_126, %swap3A_127] {strides = array<i32>} : memref<80x128xf32, #tpu.memory_space<vmem>>, vector<1x16xf32>,
      %swap3A_129 = vector.shape_cast %swap3A_128 : vector<1x16xf32> to vector<16xf32>
      %swap3A_130 = vector.shape_cast %broadcast_in_dim3A_125 : vector<16xf32> to vector<1x16xf32>
      tpu.vector_store %arg12[%swap3A_126, %swap3A_127], %swap3A_130 {strides = array<i32>} : memref<80x128xf32, #tpu.memory_space<vmem>>, vector<1x16xf32>,
      %scan3A_131 = arith.constant 0 : i32
      scf.yield %scan3A_131 : i32
    }
    %scan3A_33 = arith.constant 80 : i32
    %barrier3A = arith.constant 0 : index
    tpu.barrier barrier_id(%barrier3A)
    %iota3A = tpu.iota {dimensions = array<i32: 0>} : vector<16xi32>
    %scan3A_34 = arith.constant 0 : i32
    %scan3A_35 = arith.constant 0 : i32
    %scan3A_36 = arith.constant 125 : i32
    %scan3A_37 = arith.addi %scan3A_35, %scan3A_36 : i32
    %scan3A_38 = arith.constant 1 : i32
    %scan3A_39 = scf.for %scan3A_82 = %scan3A_35 to %scan3A_37 step %scan3A_38 iter_args(%scan3A_83 = %scan3A_34) -> (i32)  : i32 {
      %mul3A_84 = arith.constant 10000 : i32
      %mul3A_85 = arith.muli %add3A, %mul3A_84 : i32
      %mul3A_86 = arith.constant 80 : i32
      %mul3A_87 = arith.muli %scan3A_82, %mul3A_86 : i32
      %add3A_88 = arith.addi %mul3A_85, %mul3A_87 : i32
      %dma_start3A = tpu.memref_slice %arg3[%add3A_88] : memref<320000xi32, #tpu.memory_space<hbm>> -> memref<80xi32, #tpu.memory_space<hbm>>
      %dma_start3A_89 = tpu.memref_slice %arg3[%add3A_88] : memref<320000xi32, #tpu.memory_space<hbm>> -> memref<80xi32, #tpu.memory_space<hbm>>
      tpu.enqueue_dma source(%dma_start3A_89 : memref<80xi32, #tpu.memory_space<hbm>>) target(%arg7 : memref<80xi32, #tpu.memory_space<vmem>>) target_semaphore(%arg17 : memref<!tpu.dma_semaphore, #tpu.memory_space<semaphore_mem>>)
      %dma_start3A_90 = tpu.memref_slice %arg2[%add3A_88] : memref<320000xi32, #tpu.memory_space<hbm>> -> memref<80xi32, #tpu.memory_space<hbm>>
      %dma_start3A_91 = tpu.memref_slice %arg2[%add3A_88] : memref<320000xi32, #tpu.memory_space<hbm>> -> memref<80xi32, #tpu.memory_space<hbm>>
      tpu.enqueue_dma source(%dma_start3A_91 : memref<80xi32, #tpu.memory_space<hbm>>) target(%arg8 : memref<80xi32, #tpu.memory_space<vmem>>) target_semaphore(%arg18 : memref<!tpu.dma_semaphore, #tpu.memory_space<semaphore_mem>>)
      %dma_wait3A = tpu.memref_slice %arg3[%add3A_88] : memref<320000xi32, #tpu.memory_space<hbm>> -> memref<80xi32, #tpu.memory_space<hbm>>
      %dma_wait3A_92 = tpu.memref_slice %arg3[%add3A_88] : memref<320000xi32, #tpu.memory_space<hbm>> -> memref<80xi32, #tpu.memory_space<hbm>>
      tpu.wait_dma2 semaphore(%arg17 : memref<!tpu.dma_semaphore, #tpu.memory_space<semaphore_mem>>) src(%dma_wait3A_92 : memref<80xi32, #tpu.memory_space<hbm>>) dst(%arg7 : memref<80xi32, #tpu.memory_space<vmem>>)
      %dma_wait3A_93 = tpu.memref_slice %arg2[%add3A_88] : memref<320000xi32, #tpu.memory_space<hbm>> -> memref<80xi32, #tpu.memory_space<hbm>>
      %dma_wait3A_94 = tpu.memref_slice %arg2[%add3A_88] : memref<320000xi32, #tpu.memory_space<hbm>> -> memref<80xi32, #tpu.memory_space<hbm>>
      tpu.wait_dma2 semaphore(%arg18 : memref<!tpu.dma_semaphore, #tpu.memory_space<semaphore_mem>>) src(%dma_wait3A_94 : memref<80xi32, #tpu.memory_space<hbm>>) dst(%arg8 : memref<80xi32, #tpu.memory_space<vmem>>)
      %dma_start3A_95 = arith.constant 0 : i32
      %dma_start3A_96 = arith.constant 0 : i32
      %dma_start3A_97 = tpu.memref_slice %arg4[%dma_start3A_95, %dma_start3A_96] : memref<10000x128xf32, #tpu.memory_space<hbm>> -> memref<10000x128xf32, #tpu.memory_space<hbm>>
      tpu.enqueue_indirect_dma source(%dma_start3A_97 : memref<10000x128xf32, #tpu.memory_space<hbm>>) target(%arg9 : memref<80x128xf32, #tpu.memory_space<vmem>>) offsets(%arg7 : memref<80xi32, #tpu.memory_space<vmem>>) semaphore(%arg15 : memref<!tpu.dma_semaphore, #tpu.memory_space<semaphore_mem>>)
      %dma_start3A_98 = arith.constant 0 : i32
      %dma_start3A_99 = arith.constant 0 : i32
      %dma_start3A_100 = tpu.memref_slice %arg4[%dma_start3A_98, %dma_start3A_99] : memref<10000x128xf32, #tpu.memory_space<hbm>> -> memref<10000x128xf32, #tpu.memory_space<hbm>>
      tpu.enqueue_indirect_dma source(%dma_start3A_100 : memref<10000x128xf32, #tpu.memory_space<hbm>>) target(%arg10 : memref<80x128xf32, #tpu.memory_space<vmem>>) offsets(%arg8 : memref<80xi32, #tpu.memory_space<vmem>>) semaphore(%arg16 : memref<!tpu.dma_semaphore, #tpu.memory_space<semaphore_mem>>)
      %dma_wait3A_101 = arith.constant 0 : i32
      %dma_wait3A_102 = arith.constant 0 : i32
      %dma_wait3A_103 = tpu.memref_slice %arg4[%dma_wait3A_101, %dma_wait3A_102] : memref<10000x128xf32, #tpu.memory_space<hbm>> -> memref<10000x128xf32, #tpu.memory_space<hbm>>
      tpu.wait_indirect_dma semaphore(%arg15 : memref<!tpu.dma_semaphore, #tpu.memory_space<semaphore_mem>>) src(%dma_wait3A_103 : memref<10000x128xf32, #tpu.memory_space<hbm>>) dst(%arg9 : memref<80x128xf32, #tpu.memory_space<vmem>>)
      %dma_wait3A_104 = arith.constant 0 : i32
      %dma_wait3A_105 = arith.constant 0 : i32
      %dma_wait3A_106 = tpu.memref_slice %arg4[%dma_wait3A_104, %dma_wait3A_105] : memref<10000x128xf32, #tpu.memory_space<hbm>> -> memref<10000x128xf32, #tpu.memory_space<hbm>>
      tpu.wait_indirect_dma semaphore(%arg16 : memref<!tpu.dma_semaphore, #tpu.memory_space<semaphore_mem>>) src(%dma_wait3A_106 : memref<10000x128xf32, #tpu.memory_space<hbm>>) dst(%arg10 : memref<80x128xf32, #tpu.memory_space<vmem>>)
      %scan3A_107 = arith.constant 0 : i32
      %scan3A_108 = arith.constant 0 : i32
      %scan3A_109 = arith.constant 80 : i32
      %scan3A_110 = arith.addi %scan3A_108, %scan3A_109 : i32
      %scan3A_111 = arith.constant 1 : i32
      %scan3A_112 = scf.for %scan3A_127 = %scan3A_108 to %scan3A_110 step %scan3A_111 iter_args(%scan3A_128 = %scan3A_107) -> (i32)  : i32 {
        %get3A = arith.index_cast %scan3A_127 : i32 to index
        %get3A_129 = arith.constant 0 : index
        %get3A_130 = tpu.vector_load %arg9[%get3A, %get3A_129] {strides = array<i32>} : memref<80x128xf32, #tpu.memory_space<vmem>>, vector<1x16xf32>,
        %get3A_131 = vector.shape_cast %get3A_130 : vector<1x16xf32> to vector<16xf32>
        %get3A_132 = arith.index_cast %scan3A_127 : i32 to index
        %get3A_133 = arith.constant 16 : index
        %get3A_134 = tpu.vector_load %arg10[%get3A_132, %get3A_133] {strides = array<i32>} : memref<80x128xf32, #tpu.memory_space<vmem>>, vector<1x16xf32>,
        %get3A_135 = vector.shape_cast %get3A_134 : vector<1x16xf32> to vector<16xf32>
        %add3A_136 = arith.addf %get3A_131, %get3A_135 : vector<16xf32>
        %gt3A = arith.constant 0.000000e+00 : f32
        %gt3A_137 = vector.broadcast %gt3A : f32 to vector<16xf32>
        %gt3A_138 = arith.cmpf ogt, %add3A_136, %gt3A_137 : vector<16xf32>
        %mul3A_139 = arith.constant 2.000000e-01 : f32
        %mul3A_140 = vector.broadcast %mul3A_139 : f32 to vector<16xf32>
        %mul3A_141 = arith.mulf %mul3A_140, %add3A_136 : vector<16xf32>
        %select_n3A = arith.select %gt3A_138, %add3A_136, %mul3A_141 : vector<16xi1>, vector<16xf32>
        %exp3A = math.exp %select_n3A : vector<16xf32>
        %lt3A = arith.constant 8 : i32
        %lt3A_142 = vector.broadcast %lt3A : i32 to vector<16xi32>
        %lt3A_143 = arith.cmpi slt, %iota3A, %lt3A_142 : vector<16xi32>
        %eq3A = arith.constant 8 : i32
        %eq3A_144 = vector.broadcast %eq3A : i32 to vector<16xi32>
        %eq3A_145 = arith.cmpi eq, %iota3A, %eq3A_144 : vector<16xi32>
        %broadcast_in_dim3A = arith.constant 1.000000e+00 : f32
        %broadcast_in_dim3A_146 = vector.broadcast %broadcast_in_dim3A : f32 to vector<16xf32>
        %broadcast_in_dim3A_147 = arith.constant 0.000000e+00 : f32
        %broadcast_in_dim3A_148 = vector.broadcast %broadcast_in_dim3A_147 : f32 to vector<16xf32>
        %select_n3A_149 = arith.select %eq3A_145, %broadcast_in_dim3A_146, %broadcast_in_dim3A_148 : vector<16xi1>, vector<16xf32>
        %select_n3A_150 = arith.select %lt3A_143, %exp3A, %select_n3A_149 : vector<16xi1>, vector<16xf32>
        %mul3A_151 = arith.constant 16 : i32
        %mul3A_152 = arith.muli %scan3A_127, %mul3A_151 : i32
        %swap3A = arith.index_cast %mul3A_152 : i32 to index
        %swap3A_153 = tpu.vector_load %arg11[%swap3A] {strides = array<i32>} : memref<1280xf32, #tpu.memory_space<vmem>>, vector<16xf32>,
        %swap3A_154 = vector.shape_cast %swap3A_153 : vector<16xf32> to vector<16xf32>
        %swap3A_155 = vector.shape_cast %select_n3A_150 : vector<16xf32> to vector<16xf32>
        tpu.vector_store %arg11[%swap3A], %swap3A_155 {strides = array<i32>} : memref<1280xf32, #tpu.memory_space<vmem>>, vector<16xf32>,
        %swap3A_156 = arith.index_cast %scan3A_127 : i32 to index
        %swap3A_157 = arith.constant 0 : index
        %swap3A_158 = tpu.vector_load %arg12[%swap3A_156, %swap3A_157] {strides = array<i32>} : memref<80x128xf32, #tpu.memory_space<vmem>>, vector<1x16xf32>,
        %swap3A_159 = vector.shape_cast %swap3A_158 : vector<1x16xf32> to vector<16xf32>
        %swap3A_160 = vector.shape_cast %select_n3A_150 : vector<16xf32> to vector<1x16xf32>
        tpu.vector_store %arg12[%swap3A_156, %swap3A_157], %swap3A_160 {strides = array<i32>} : memref<80x128xf32, #tpu.memory_space<vmem>>, vector<1x16xf32>,
        %scan3A_161 = arith.constant 0 : i32
        scf.yield %scan3A_161 : i32
      }
      %scan3A_113 = arith.constant 80 : i32
      %mul3A_114 = arith.constant 16 : i32
      %mul3A_115 = arith.muli %add3A_88, %mul3A_114 : i32
      %dma_start3A_116 = tpu.memref_slice %arg5[%mul3A_115] : memref<5120000xf32, #tpu.memory_space<hbm>> -> memref<1280xf32, #tpu.memory_space<hbm>>
      %dma_start3A_117 = tpu.memref_slice %arg5[%mul3A_115] : memref<5120000xf32, #tpu.memory_space<hbm>> -> memref<1280xf32, #tpu.memory_space<hbm>>
      tpu.enqueue_dma source(%arg11 : memref<1280xf32, #tpu.memory_space<vmem>>) target(%dma_start3A_117 : memref<1280xf32, #tpu.memory_space<hbm>>) target_semaphore(%arg17 : memref<!tpu.dma_semaphore, #tpu.memory_space<semaphore_mem>>)
      %dma_start3A_118 = arith.constant 0 : i32
      %dma_start3A_119 = arith.constant 0 : i32
      %dma_start3A_120 = tpu.memref_slice %arg14[%dma_start3A_118, %dma_start3A_119] : memref<10240x128xf32, #tpu.memory_space<vmem_shared>> -> memref<10240x128xf32, #tpu.memory_space<vmem_shared>>
      tpu.enqueue_indirect_dma source(%arg12 : memref<80x128xf32, #tpu.memory_space<vmem>>) target(%dma_start3A_120 : memref<10240x128xf32, #tpu.memory_space<vmem_shared>>) offsets(%arg7 : memref<80xi32, #tpu.memory_space<vmem>>) semaphore(%arg18 : memref<!tpu.dma_semaphore, #tpu.memory_space<semaphore_mem>>) {add = true}
      %dma_wait3A_121 = tpu.memref_slice %arg5[%mul3A_115] : memref<5120000xf32, #tpu.memory_space<hbm>> -> memref<1280xf32, #tpu.memory_space<hbm>>
      %dma_wait3A_122 = tpu.memref_slice %arg5[%mul3A_115] : memref<5120000xf32, #tpu.memory_space<hbm>> -> memref<1280xf32, #tpu.memory_space<hbm>>
      tpu.wait_dma2 semaphore(%arg17 : memref<!tpu.dma_semaphore, #tpu.memory_space<semaphore_mem>>) src(%arg11 : memref<1280xf32, #tpu.memory_space<vmem>>) dst(%dma_wait3A_122 : memref<1280xf32, #tpu.memory_space<hbm>>)
      %dma_wait3A_123 = arith.constant 0 : i32
      %dma_wait3A_124 = arith.constant 0 : i32
      %dma_wait3A_125 = tpu.memref_slice %arg14[%dma_wait3A_123, %dma_wait3A_124] : memref<10240x128xf32, #tpu.memory_space<vmem_shared>> -> memref<10240x128xf32, #tpu.memory_space<vmem_shared>>
      tpu.wait_indirect_dma semaphore(%arg18 : memref<!tpu.dma_semaphore, #tpu.memory_space<semaphore_mem>>) src(%arg12 : memref<80x128xf32, #tpu.memory_space<vmem>>) dst(%dma_wait3A_125 : memref<10240x128xf32, #tpu.memory_space<vmem_shared>>)
      %scan3A_126 = arith.constant 0 : i32
      scf.yield %scan3A_126 : i32
    }
    %scan3A_40 = arith.constant 125 : i32
    %barrier3A_41 = arith.constant 0 : index
    tpu.barrier barrier_id(%barrier3A_41)
    %mul3A_42 = arith.constant 640 : i32
    %mul3A_43 = arith.muli %arg1, %mul3A_42 : i32
    %add3A_44 = arith.constant 0 : i32
    %add3A_45 = arith.addi %mul3A_43, %add3A_44 : i32
    %mul3A_46 = arith.constant 640 : i32
    %mul3A_47 = arith.muli %arg1, %mul3A_46 : i32
    %add3A_48 = arith.constant 0 : i32
    %add3A_49 = arith.addi %mul3A_47, %add3A_48 : i32
    "tpu.region"() ({
      %run_scoped3A = tpu.sem_alloc : memref<!tpu.dma_semaphore, #tpu.memory_space<semaphore_mem>>
      %dma_start3A = arith.constant 0 : i32
      %dma_start3A_82 = tpu.memref_slice %arg6[%arg0, %add3A_49, %dma_start3A] : memref<2x10240x128xf32, #tpu.memory_space<hbm>> -> memref<1x128x128xf32, #tpu.memory_space<hbm>>
      %dma_start3A_83 = tpu.memref_squeeze %dma_start3A_82 : memref<1x128x128xf32, #tpu.memory_space<hbm>> -> memref<128x128xf32, #tpu.memory_space<hbm>>
      %dma_start3A_84 = arith.constant 0 : i32
      %dma_start3A_85 = tpu.memref_slice %arg14[%add3A_45, %dma_start3A_84] : memref<10240x128xf32, #tpu.memory_space<vmem_shared>> -> memref<128x128xf32, #tpu.memory_space<vmem_shared>>
      tpu.enqueue_dma source(%dma_start3A_85 : memref<128x128xf32, #tpu.memory_space<vmem_shared>>) target(%dma_start3A_83 : memref<128x128xf32, #tpu.memory_space<hbm>>) target_semaphore(%run_scoped3A : memref<!tpu.dma_semaphore, #tpu.memory_space<semaphore_mem>>)
      %dma_wait3A = arith.constant 0 : i32
      %dma_wait3A_86 = tpu.memref_slice %arg6[%arg0, %add3A_49, %dma_wait3A] : memref<2x10240x128xf32, #tpu.memory_space<hbm>> -> memref<1x128x128xf32, #tpu.memory_space<hbm>>
      %dma_wait3A_87 = tpu.memref_squeeze %dma_wait3A_86 : memref<1x128x128xf32, #tpu.memory_space<hbm>> -> memref<128x128xf32, #tpu.memory_space<hbm>>
      %dma_wait3A_88 = arith.constant 0 : i32
      %dma_wait3A_89 = tpu.memref_slice %arg14[%add3A_45, %dma_wait3A_88] : memref<10240x128xf32, #tpu.memory_space<vmem_shared>> -> memref<128x128xf32, #tpu.memory_space<vmem_shared>>
      tpu.wait_dma2 semaphore(%run_scoped3A : memref<!tpu.dma_semaphore, #tpu.memory_space<semaphore_mem>>) src(%dma_wait3A_89 : memref<128x128xf32, #tpu.memory_space<vmem_shared>>) dst(%dma_wait3A_87 : memref<128x128xf32, #tpu.memory_space<hbm>>)
      tpu.yield
    }) : () -> ()
    %mul3A_50 = arith.constant 640 : i32
    %mul3A_51 = arith.muli %arg1, %mul3A_50 : i32
    %add3A_52 = arith.constant 128 : i32
    %add3A_53 = arith.addi %mul3A_51, %add3A_52 : i32
    %mul3A_54 = arith.constant 640 : i32
    %mul3A_55 = arith.muli %arg1, %mul3A_54 : i32
    %add3A_56 = arith.constant 128 : i32
    %add3A_57 = arith.addi %mul3A_55, %add3A_56 : i32
    "tpu.region"() ({
      %run_scoped3A = tpu.sem_alloc : memref<!tpu.dma_semaphore, #tpu.memory_space<semaphore_mem>>
      %dma_start3A = arith.constant 0 : i32
      %dma_start3A_82 = tpu.memref_slice %arg6[%arg0, %add3A_57, %dma_start3A] : memref<2x10240x128xf32, #tpu.memory_space<hbm>> -> memref<1x128x128xf32, #tpu.memory_space<hbm>>
      %dma_start3A_83 = tpu.memref_squeeze %dma_start3A_82 : memref<1x128x128xf32, #tpu.memory_space<hbm>> -> memref<128x128xf32, #tpu.memory_space<hbm>>
      %dma_start3A_84 = arith.constant 0 : i32
      %dma_start3A_85 = tpu.memref_slice %arg14[%add3A_53, %dma_start3A_84] : memref<10240x128xf32, #tpu.memory_space<vmem_shared>> -> memref<128x128xf32, #tpu.memory_space<vmem_shared>>
      tpu.enqueue_dma source(%dma_start3A_85 : memref<128x128xf32, #tpu.memory_space<vmem_shared>>) target(%dma_start3A_83 : memref<128x128xf32, #tpu.memory_space<hbm>>) target_semaphore(%run_scoped3A : memref<!tpu.dma_semaphore, #tpu.memory_space<semaphore_mem>>)
      %dma_wait3A = arith.constant 0 : i32
      %dma_wait3A_86 = tpu.memref_slice %arg6[%arg0, %add3A_57, %dma_wait3A] : memref<2x10240x128xf32, #tpu.memory_space<hbm>> -> memref<1x128x128xf32, #tpu.memory_space<hbm>>
      %dma_wait3A_87 = tpu.memref_squeeze %dma_wait3A_86 : memref<1x128x128xf32, #tpu.memory_space<hbm>> -> memref<128x128xf32, #tpu.memory_space<hbm>>
      %dma_wait3A_88 = arith.constant 0 : i32
      %dma_wait3A_89 = tpu.memref_slice %arg14[%add3A_53, %dma_wait3A_88] : memref<10240x128xf32, #tpu.memory_space<vmem_shared>> -> memref<128x128xf32, #tpu.memory_space<vmem_shared>>
      tpu.wait_dma2 semaphore(%run_scoped3A : memref<!tpu.dma_semaphore, #tpu.memory_space<semaphore_mem>>) src(%dma_wait3A_89 : memref<128x128xf32, #tpu.memory_space<vmem_shared>>) dst(%dma_wait3A_87 : memref<128x128xf32, #tpu.memory_space<hbm>>)
      tpu.yield
    }) : () -> ()
    %mul3A_58 = arith.constant 640 : i32
    %mul3A_59 = arith.muli %arg1, %mul3A_58 : i32
    %add3A_60 = arith.constant 256 : i32
    %add3A_61 = arith.addi %mul3A_59, %add3A_60 : i32
    %mul3A_62 = arith.constant 640 : i32
    %mul3A_63 = arith.muli %arg1, %mul3A_62 : i32
    %add3A_64 = arith.constant 256 : i32
    %add3A_65 = arith.addi %mul3A_63, %add3A_64 : i32
    "tpu.region"() ({
      %run_scoped3A = tpu.sem_alloc : memref<!tpu.dma_semaphore, #tpu.memory_space<semaphore_mem>>
      %dma_start3A = arith.constant 0 : i32
      %dma_start3A_82 = tpu.memref_slice %arg6[%arg0, %add3A_65, %dma_start3A] : memref<2x10240x128xf32, #tpu.memory_space<hbm>> -> memref<1x128x128xf32, #tpu.memory_space<hbm>>
      %dma_start3A_83 = tpu.memref_squeeze %dma_start3A_82 : memref<1x128x128xf32, #tpu.memory_space<hbm>> -> memref<128x128xf32, #tpu.memory_space<hbm>>
      %dma_start3A_84 = arith.constant 0 : i32
      %dma_start3A_85 = tpu.memref_slice %arg14[%add3A_61, %dma_start3A_84] : memref<10240x128xf32, #tpu.memory_space<vmem_shared>> -> memref<128x128xf32, #tpu.memory_space<vmem_shared>>
      tpu.enqueue_dma source(%dma_start3A_85 : memref<128x128xf32, #tpu.memory_space<vmem_shared>>) target(%dma_start3A_83 : memref<128x128xf32, #tpu.memory_space<hbm>>) target_semaphore(%run_scoped3A : memref<!tpu.dma_semaphore, #tpu.memory_space<semaphore_mem>>)
      %dma_wait3A = arith.constant 0 : i32
      %dma_wait3A_86 = tpu.memref_slice %arg6[%arg0, %add3A_65, %dma_wait3A] : memref<2x10240x128xf32, #tpu.memory_space<hbm>> -> memref<1x128x128xf32, #tpu.memory_space<hbm>>
      %dma_wait3A_87 = tpu.memref_squeeze %dma_wait3A_86 : memref<1x128x128xf32, #tpu.memory_space<hbm>> -> memref<128x128xf32, #tpu.memory_space<hbm>>
      %dma_wait3A_88 = arith.constant 0 : i32
      %dma_wait3A_89 = tpu.memref_slice %arg14[%add3A_61, %dma_wait3A_88] : memref<10240x128xf32, #tpu.memory_space<vmem_shared>> -> memref<128x128xf32, #tpu.memory_space<vmem_shared>>
      tpu.wait_dma2 semaphore(%run_scoped3A : memref<!tpu.dma_semaphore, #tpu.memory_space<semaphore_mem>>) src(%dma_wait3A_89 : memref<128x128xf32, #tpu.memory_space<vmem_shared>>) dst(%dma_wait3A_87 : memref<128x128xf32, #tpu.memory_space<hbm>>)
      tpu.yield
    }) : () -> ()
    %mul3A_66 = arith.constant 640 : i32
    %mul3A_67 = arith.muli %arg1, %mul3A_66 : i32
    %add3A_68 = arith.constant 384 : i32
    %add3A_69 = arith.addi %mul3A_67, %add3A_68 : i32
    %mul3A_70 = arith.constant 640 : i32
    %mul3A_71 = arith.muli %arg1, %mul3A_70 : i32
    %add3A_72 = arith.constant 384 : i32
    %add3A_73 = arith.addi %mul3A_71, %add3A_72 : i32
    "tpu.region"() ({
      %run_scoped3A = tpu.sem_alloc : memref<!tpu.dma_semaphore, #tpu.memory_space<semaphore_mem>>
      %dma_start3A = arith.constant 0 : i32
      %dma_start3A_82 = tpu.memref_slice %arg6[%arg0, %add3A_73, %dma_start3A] : memref<2x10240x128xf32, #tpu.memory_space<hbm>> -> memref<1x128x128xf32, #tpu.memory_space<hbm>>
      %dma_start3A_83 = tpu.memref_squeeze %dma_start3A_82 : memref<1x128x128xf32, #tpu.memory_space<hbm>> -> memref<128x128xf32, #tpu.memory_space<hbm>>
      %dma_start3A_84 = arith.constant 0 : i32
      %dma_start3A_85 = tpu.memref_slice %arg14[%add3A_69, %dma_start3A_84] : memref<10240x128xf32, #tpu.memory_space<vmem_shared>> -> memref<128x128xf32, #tpu.memory_space<vmem_shared>>
      tpu.enqueue_dma source(%dma_start3A_85 : memref<128x128xf32, #tpu.memory_space<vmem_shared>>) target(%dma_start3A_83 : memref<128x128xf32, #tpu.memory_space<hbm>>) target_semaphore(%run_scoped3A : memref<!tpu.dma_semaphore, #tpu.memory_space<semaphore_mem>>)
      %dma_wait3A = arith.constant 0 : i32
      %dma_wait3A_86 = tpu.memref_slice %arg6[%arg0, %add3A_73, %dma_wait3A] : memref<2x10240x128xf32, #tpu.memory_space<hbm>> -> memref<1x128x128xf32, #tpu.memory_space<hbm>>
      %dma_wait3A_87 = tpu.memref_squeeze %dma_wait3A_86 : memref<1x128x128xf32, #tpu.memory_space<hbm>> -> memref<128x128xf32, #tpu.memory_space<hbm>>
      %dma_wait3A_88 = arith.constant 0 : i32
      %dma_wait3A_89 = tpu.memref_slice %arg14[%add3A_69, %dma_wait3A_88] : memref<10240x128xf32, #tpu.memory_space<vmem_shared>> -> memref<128x128xf32, #tpu.memory_space<vmem_shared>>
      tpu.wait_dma2 semaphore(%run_scoped3A : memref<!tpu.dma_semaphore, #tpu.memory_space<semaphore_mem>>) src(%dma_wait3A_89 : memref<128x128xf32, #tpu.memory_space<vmem_shared>>) dst(%dma_wait3A_87 : memref<128x128xf32, #tpu.memory_space<hbm>>)
      tpu.yield
    }) : () -> ()
    %mul3A_74 = arith.constant 640 : i32
    %mul3A_75 = arith.muli %arg1, %mul3A_74 : i32
    %add3A_76 = arith.constant 512 : i32
    %add3A_77 = arith.addi %mul3A_75, %add3A_76 : i32
    %mul3A_78 = arith.constant 640 : i32
    %mul3A_79 = arith.muli %arg1, %mul3A_78 : i32
    %add3A_80 = arith.constant 512 : i32
    %add3A_81 = arith.addi %mul3A_79, %add3A_80 : i32
    "tpu.region"() ({
      %run_scoped3A = tpu.sem_alloc : memref<!tpu.dma_semaphore, #tpu.memory_space<semaphore_mem>>
      %dma_start3A = arith.constant 0 : i32
      %dma_start3A_82 = tpu.memref_slice %arg6[%arg0, %add3A_81, %dma_start3A] : memref<2x10240x128xf32, #tpu.memory_space<hbm>> -> memref<1x128x128xf32, #tpu.memory_space<hbm>>
      %dma_start3A_83 = tpu.memref_squeeze %dma_start3A_82 : memref<1x128x128xf32, #tpu.memory_space<hbm>> -> memref<128x128xf32, #tpu.memory_space<hbm>>
      %dma_start3A_84 = arith.constant 0 : i32
      %dma_start3A_85 = tpu.memref_slice %arg14[%add3A_77, %dma_start3A_84] : memref<10240x128xf32, #tpu.memory_space<vmem_shared>> -> memref<128x128xf32, #tpu.memory_space<vmem_shared>>
      tpu.enqueue_dma source(%dma_start3A_85 : memref<128x128xf32, #tpu.memory_space<vmem_shared>>) target(%dma_start3A_83 : memref<128x128xf32, #tpu.memory_space<hbm>>) target_semaphore(%run_scoped3A : memref<!tpu.dma_semaphore, #tpu.memory_space<semaphore_mem>>)
      %dma_wait3A = arith.constant 0 : i32
      %dma_wait3A_86 = tpu.memref_slice %arg6[%arg0, %add3A_81, %dma_wait3A] : memref<2x10240x128xf32, #tpu.memory_space<hbm>> -> memref<1x128x128xf32, #tpu.memory_space<hbm>>
      %dma_wait3A_87 = tpu.memref_squeeze %dma_wait3A_86 : memref<1x128x128xf32, #tpu.memory_space<hbm>> -> memref<128x128xf32, #tpu.memory_space<hbm>>
      %dma_wait3A_88 = arith.constant 0 : i32
      %dma_wait3A_89 = tpu.memref_slice %arg14[%add3A_77, %dma_wait3A_88] : memref<10240x128xf32, #tpu.memory_space<vmem_shared>> -> memref<128x128xf32, #tpu.memory_space<vmem_shared>>
      tpu.wait_dma2 semaphore(%run_scoped3A : memref<!tpu.dma_semaphore, #tpu.memory_space<semaphore_mem>>) src(%dma_wait3A_89 : memref<128x128xf32, #tpu.memory_space<vmem_shared>>) dst(%dma_wait3A_87 : memref<128x128xf32, #tpu.memory_space<hbm>>)
      tpu.yield
    }) : () -> ()
    return
  }
}

#map = affine_map<(d0, d1) -> (0)>
#map1 = affine_map<(d0, d1) -> (0, 0)>
#map2 = affine_map<(d0, d1) -> (0, 0, 0)>
module attributes {stable_mosaic.version = 14 : i64} {
  func.func @_agg_body(%arg0: i32, %arg1: i32, %arg2: memref<320000xi32, #tpu.memory_space<hbm>>, %arg3: memref<320000xi32, #tpu.memory_space<hbm>>, %arg4: memref<10000x128xf32, #tpu.memory_space<hbm>>, %arg5: memref<5120000xf32, #tpu.memory_space<hbm>>, %arg6: memref<2x10240x128xf32, #tpu.memory_space<hbm>>, %arg7: memref<80xi32, #tpu.memory_space<vmem>>, %arg8: memref<80xi32, #tpu.memory_space<vmem>>, %arg9: memref<80x128xf32, #tpu.memory_space<vmem>>, %arg10: memref<1280xf32, #tpu.memory_space<vmem>>, %arg11: memref<128x128xf32, #tpu.memory_space<vmem>>, %arg12: memref<10240x128xf32, #tpu.memory_space<vmem_shared>>, %arg13: memref<!tpu.dma_semaphore, #tpu.memory_space<semaphore_mem>>, %arg14: memref<!tpu.dma_semaphore, #tpu.memory_space<semaphore_mem>>, %arg15: memref<!tpu.dma_semaphore, #tpu.memory_space<semaphore_mem>>, %arg16: memref<!tpu.dma_semaphore, #tpu.memory_space<semaphore_mem>>) attributes {dimension_semantics = [#tpu.dimension_semantics<core_parallel>, #tpu.dimension_semantics<subcore_parallel>], iteration_bounds = array<i64: 2, 16>, scalar_prefetch = 0 : i64, scratch_operands = 10 : i64, tpu.core_type = #tpu.core_type<sc_vector_subcore>, window_params = [{transform_indices = #map}, {transform_indices = #map}, {transform_indices = #map1}, {transform_indices = #map}, {transform_indices = #map2}]} {
    %mul3A = arith.constant 16 : i32
    %mul3A_0 = arith.muli %arg0, %mul3A : i32
    %add3A = arith.addi %mul3A_0, %arg1 : i32
    %scan3A = arith.constant 0 : i32
    %scan3A_1 = arith.constant 0 : i32
    %scan3A_2 = arith.constant 128 : i32
    %scan3A_3 = arith.addi %scan3A_1, %scan3A_2 : i32
    %scan3A_4 = arith.constant 1 : i32
    %scan3A_5 = scf.for %scan3A_75 = %scan3A_1 to %scan3A_3 step %scan3A_4 iter_args(%scan3A_76 = %scan3A) -> (i32)  : i32 {
      %broadcast_in_dim3A = arith.constant 0.000000e+00 : f32
      %broadcast_in_dim3A_77 = vector.broadcast %broadcast_in_dim3A : f32 to vector<16xf32>
      %swap3A = arith.index_cast %scan3A_75 : i32 to index
      %swap3A_78 = arith.constant 0 : index
      %swap3A_79 = tpu.vector_load %arg11[%swap3A, %swap3A_78] {strides = array<i32>} : memref<128x128xf32, #tpu.memory_space<vmem>>, vector<1x16xf32>,
      %swap3A_80 = vector.shape_cast %swap3A_79 : vector<1x16xf32> to vector<16xf32>
      %swap3A_81 = vector.shape_cast %broadcast_in_dim3A_77 : vector<16xf32> to vector<1x16xf32>
      tpu.vector_store %arg11[%swap3A, %swap3A_78], %swap3A_81 {strides = array<i32>} : memref<128x128xf32, #tpu.memory_space<vmem>>, vector<1x16xf32>,
      %broadcast_in_dim3A_82 = arith.constant 0.000000e+00 : f32
      %broadcast_in_dim3A_83 = vector.broadcast %broadcast_in_dim3A_82 : f32 to vector<16xf32>
      %swap3A_84 = arith.index_cast %scan3A_75 : i32 to index
      %swap3A_85 = arith.constant 16 : index
      %swap3A_86 = tpu.vector_load %arg11[%swap3A_84, %swap3A_85] {strides = array<i32>} : memref<128x128xf32, #tpu.memory_space<vmem>>, vector<1x16xf32>,
      %swap3A_87 = vector.shape_cast %swap3A_86 : vector<1x16xf32> to vector<16xf32>
      %swap3A_88 = vector.shape_cast %broadcast_in_dim3A_83 : vector<16xf32> to vector<1x16xf32>
      tpu.vector_store %arg11[%swap3A_84, %swap3A_85], %swap3A_88 {strides = array<i32>} : memref<128x128xf32, #tpu.memory_space<vmem>>, vector<1x16xf32>,
      %broadcast_in_dim3A_89 = arith.constant 0.000000e+00 : f32
      %broadcast_in_dim3A_90 = vector.broadcast %broadcast_in_dim3A_89 : f32 to vector<16xf32>
      %swap3A_91 = arith.index_cast %scan3A_75 : i32 to index
      %swap3A_92 = arith.constant 32 : index
      %swap3A_93 = tpu.vector_load %arg11[%swap3A_91, %swap3A_92] {strides = array<i32>} : memref<128x128xf32, #tpu.memory_space<vmem>>, vector<1x16xf32>,
      %swap3A_94 = vector.shape_cast %swap3A_93 : vector<1x16xf32> to vector<16xf32>
      %swap3A_95 = vector.shape_cast %broadcast_in_dim3A_90 : vector<16xf32> to vector<1x16xf32>
      tpu.vector_store %arg11[%swap3A_91, %swap3A_92], %swap3A_95 {strides = array<i32>} : memref<128x128xf32, #tpu.memory_space<vmem>>, vector<1x16xf32>,
      %broadcast_in_dim3A_96 = arith.constant 0.000000e+00 : f32
      %broadcast_in_dim3A_97 = vector.broadcast %broadcast_in_dim3A_96 : f32 to vector<16xf32>
      %swap3A_98 = arith.index_cast %scan3A_75 : i32 to index
      %swap3A_99 = arith.constant 48 : index
      %swap3A_100 = tpu.vector_load %arg11[%swap3A_98, %swap3A_99] {strides = array<i32>} : memref<128x128xf32, #tpu.memory_space<vmem>>, vector<1x16xf32>,
      %swap3A_101 = vector.shape_cast %swap3A_100 : vector<1x16xf32> to vector<16xf32>
      %swap3A_102 = vector.shape_cast %broadcast_in_dim3A_97 : vector<16xf32> to vector<1x16xf32>
      tpu.vector_store %arg11[%swap3A_98, %swap3A_99], %swap3A_102 {strides = array<i32>} : memref<128x128xf32, #tpu.memory_space<vmem>>, vector<1x16xf32>,
      %broadcast_in_dim3A_103 = arith.constant 0.000000e+00 : f32
      %broadcast_in_dim3A_104 = vector.broadcast %broadcast_in_dim3A_103 : f32 to vector<16xf32>
      %swap3A_105 = arith.index_cast %scan3A_75 : i32 to index
      %swap3A_106 = arith.constant 64 : index
      %swap3A_107 = tpu.vector_load %arg11[%swap3A_105, %swap3A_106] {strides = array<i32>} : memref<128x128xf32, #tpu.memory_space<vmem>>, vector<1x16xf32>,
      %swap3A_108 = vector.shape_cast %swap3A_107 : vector<1x16xf32> to vector<16xf32>
      %swap3A_109 = vector.shape_cast %broadcast_in_dim3A_104 : vector<16xf32> to vector<1x16xf32>
      tpu.vector_store %arg11[%swap3A_105, %swap3A_106], %swap3A_109 {strides = array<i32>} : memref<128x128xf32, #tpu.memory_space<vmem>>, vector<1x16xf32>,
      %broadcast_in_dim3A_110 = arith.constant 0.000000e+00 : f32
      %broadcast_in_dim3A_111 = vector.broadcast %broadcast_in_dim3A_110 : f32 to vector<16xf32>
      %swap3A_112 = arith.index_cast %scan3A_75 : i32 to index
      %swap3A_113 = arith.constant 80 : index
      %swap3A_114 = tpu.vector_load %arg11[%swap3A_112, %swap3A_113] {strides = array<i32>} : memref<128x128xf32, #tpu.memory_space<vmem>>, vector<1x16xf32>,
      %swap3A_115 = vector.shape_cast %swap3A_114 : vector<1x16xf32> to vector<16xf32>
      %swap3A_116 = vector.shape_cast %broadcast_in_dim3A_111 : vector<16xf32> to vector<1x16xf32>
      tpu.vector_store %arg11[%swap3A_112, %swap3A_113], %swap3A_116 {strides = array<i32>} : memref<128x128xf32, #tpu.memory_space<vmem>>, vector<1x16xf32>,
      %broadcast_in_dim3A_117 = arith.constant 0.000000e+00 : f32
      %broadcast_in_dim3A_118 = vector.broadcast %broadcast_in_dim3A_117 : f32 to vector<16xf32>
      %swap3A_119 = arith.index_cast %scan3A_75 : i32 to index
      %swap3A_120 = arith.constant 96 : index
      %swap3A_121 = tpu.vector_load %arg11[%swap3A_119, %swap3A_120] {strides = array<i32>} : memref<128x128xf32, #tpu.memory_space<vmem>>, vector<1x16xf32>,
      %swap3A_122 = vector.shape_cast %swap3A_121 : vector<1x16xf32> to vector<16xf32>
      %swap3A_123 = vector.shape_cast %broadcast_in_dim3A_118 : vector<16xf32> to vector<1x16xf32>
      tpu.vector_store %arg11[%swap3A_119, %swap3A_120], %swap3A_123 {strides = array<i32>} : memref<128x128xf32, #tpu.memory_space<vmem>>, vector<1x16xf32>,
      %broadcast_in_dim3A_124 = arith.constant 0.000000e+00 : f32
      %broadcast_in_dim3A_125 = vector.broadcast %broadcast_in_dim3A_124 : f32 to vector<16xf32>
      %swap3A_126 = arith.index_cast %scan3A_75 : i32 to index
      %swap3A_127 = arith.constant 112 : index
      %swap3A_128 = tpu.vector_load %arg11[%swap3A_126, %swap3A_127] {strides = array<i32>} : memref<128x128xf32, #tpu.memory_space<vmem>>, vector<1x16xf32>,
      %swap3A_129 = vector.shape_cast %swap3A_128 : vector<1x16xf32> to vector<16xf32>
      %swap3A_130 = vector.shape_cast %broadcast_in_dim3A_125 : vector<16xf32> to vector<1x16xf32>
      tpu.vector_store %arg11[%swap3A_126, %swap3A_127], %swap3A_130 {strides = array<i32>} : memref<128x128xf32, #tpu.memory_space<vmem>>, vector<1x16xf32>,
      %scan3A_131 = arith.constant 0 : i32
      scf.yield %scan3A_131 : i32
    }
    %scan3A_6 = arith.constant 128 : i32
    %mul3A_7 = arith.constant 640 : i32
    %mul3A_8 = arith.muli %arg1, %mul3A_7 : i32
    %add3A_9 = arith.constant 0 : i32
    %add3A_10 = arith.addi %mul3A_8, %add3A_9 : i32
    "tpu.region"() ({
      %run_scoped3A = tpu.sem_alloc : memref<!tpu.dma_semaphore, #tpu.memory_space<semaphore_mem>>
      %dma_start3A = arith.constant 0 : i32
      %dma_start3A_75 = tpu.memref_slice %arg12[%add3A_10, %dma_start3A] : memref<10240x128xf32, #tpu.memory_space<vmem_shared>> -> memref<128x128xf32, #tpu.memory_space<vmem_shared>>
      %dma_start3A_76 = arith.constant 0 : i32
      %dma_start3A_77 = tpu.memref_slice %arg12[%add3A_10, %dma_start3A_76] : memref<10240x128xf32, #tpu.memory_space<vmem_shared>> -> memref<128x128xf32, #tpu.memory_space<vmem_shared>>
      tpu.enqueue_dma source(%arg11 : memref<128x128xf32, #tpu.memory_space<vmem>>) target(%dma_start3A_77 : memref<128x128xf32, #tpu.memory_space<vmem_shared>>) target_semaphore(%run_scoped3A : memref<!tpu.dma_semaphore, #tpu.memory_space<semaphore_mem>>)
      %dma_wait3A = arith.constant 0 : i32
      %dma_wait3A_78 = tpu.memref_slice %arg12[%add3A_10, %dma_wait3A] : memref<10240x128xf32, #tpu.memory_space<vmem_shared>> -> memref<128x128xf32, #tpu.memory_space<vmem_shared>>
      %dma_wait3A_79 = arith.constant 0 : i32
      %dma_wait3A_80 = tpu.memref_slice %arg12[%add3A_10, %dma_wait3A_79] : memref<10240x128xf32, #tpu.memory_space<vmem_shared>> -> memref<128x128xf32, #tpu.memory_space<vmem_shared>>
      tpu.wait_dma2 semaphore(%run_scoped3A : memref<!tpu.dma_semaphore, #tpu.memory_space<semaphore_mem>>) src(%arg11 : memref<128x128xf32, #tpu.memory_space<vmem>>) dst(%dma_wait3A_80 : memref<128x128xf32, #tpu.memory_space<vmem_shared>>)
      tpu.yield
    }) : () -> ()
    %mul3A_11 = arith.constant 640 : i32
    %mul3A_12 = arith.muli %arg1, %mul3A_11 : i32
    %add3A_13 = arith.constant 128 : i32
    %add3A_14 = arith.addi %mul3A_12, %add3A_13 : i32
    "tpu.region"() ({
      %run_scoped3A = tpu.sem_alloc : memref<!tpu.dma_semaphore, #tpu.memory_space<semaphore_mem>>
      %dma_start3A = arith.constant 0 : i32
      %dma_start3A_75 = tpu.memref_slice %arg12[%add3A_14, %dma_start3A] : memref<10240x128xf32, #tpu.memory_space<vmem_shared>> -> memref<128x128xf32, #tpu.memory_space<vmem_shared>>
      %dma_start3A_76 = arith.constant 0 : i32
      %dma_start3A_77 = tpu.memref_slice %arg12[%add3A_14, %dma_start3A_76] : memref<10240x128xf32, #tpu.memory_space<vmem_shared>> -> memref<128x128xf32, #tpu.memory_space<vmem_shared>>
      tpu.enqueue_dma source(%arg11 : memref<128x128xf32, #tpu.memory_space<vmem>>) target(%dma_start3A_77 : memref<128x128xf32, #tpu.memory_space<vmem_shared>>) target_semaphore(%run_scoped3A : memref<!tpu.dma_semaphore, #tpu.memory_space<semaphore_mem>>)
      %dma_wait3A = arith.constant 0 : i32
      %dma_wait3A_78 = tpu.memref_slice %arg12[%add3A_14, %dma_wait3A] : memref<10240x128xf32, #tpu.memory_space<vmem_shared>> -> memref<128x128xf32, #tpu.memory_space<vmem_shared>>
      %dma_wait3A_79 = arith.constant 0 : i32
      %dma_wait3A_80 = tpu.memref_slice %arg12[%add3A_14, %dma_wait3A_79] : memref<10240x128xf32, #tpu.memory_space<vmem_shared>> -> memref<128x128xf32, #tpu.memory_space<vmem_shared>>
      tpu.wait_dma2 semaphore(%run_scoped3A : memref<!tpu.dma_semaphore, #tpu.memory_space<semaphore_mem>>) src(%arg11 : memref<128x128xf32, #tpu.memory_space<vmem>>) dst(%dma_wait3A_80 : memref<128x128xf32, #tpu.memory_space<vmem_shared>>)
      tpu.yield
    }) : () -> ()
    %mul3A_15 = arith.constant 640 : i32
    %mul3A_16 = arith.muli %arg1, %mul3A_15 : i32
    %add3A_17 = arith.constant 256 : i32
    %add3A_18 = arith.addi %mul3A_16, %add3A_17 : i32
    "tpu.region"() ({
      %run_scoped3A = tpu.sem_alloc : memref<!tpu.dma_semaphore, #tpu.memory_space<semaphore_mem>>
      %dma_start3A = arith.constant 0 : i32
      %dma_start3A_75 = tpu.memref_slice %arg12[%add3A_18, %dma_start3A] : memref<10240x128xf32, #tpu.memory_space<vmem_shared>> -> memref<128x128xf32, #tpu.memory_space<vmem_shared>>
      %dma_start3A_76 = arith.constant 0 : i32
      %dma_start3A_77 = tpu.memref_slice %arg12[%add3A_18, %dma_start3A_76] : memref<10240x128xf32, #tpu.memory_space<vmem_shared>> -> memref<128x128xf32, #tpu.memory_space<vmem_shared>>
      tpu.enqueue_dma source(%arg11 : memref<128x128xf32, #tpu.memory_space<vmem>>) target(%dma_start3A_77 : memref<128x128xf32, #tpu.memory_space<vmem_shared>>) target_semaphore(%run_scoped3A : memref<!tpu.dma_semaphore, #tpu.memory_space<semaphore_mem>>)
      %dma_wait3A = arith.constant 0 : i32
      %dma_wait3A_78 = tpu.memref_slice %arg12[%add3A_18, %dma_wait3A] : memref<10240x128xf32, #tpu.memory_space<vmem_shared>> -> memref<128x128xf32, #tpu.memory_space<vmem_shared>>
      %dma_wait3A_79 = arith.constant 0 : i32
      %dma_wait3A_80 = tpu.memref_slice %arg12[%add3A_18, %dma_wait3A_79] : memref<10240x128xf32, #tpu.memory_space<vmem_shared>> -> memref<128x128xf32, #tpu.memory_space<vmem_shared>>
      tpu.wait_dma2 semaphore(%run_scoped3A : memref<!tpu.dma_semaphore, #tpu.memory_space<semaphore_mem>>) src(%arg11 : memref<128x128xf32, #tpu.memory_space<vmem>>) dst(%dma_wait3A_80 : memref<128x128xf32, #tpu.memory_space<vmem_shared>>)
      tpu.yield
    }) : () -> ()
    %mul3A_19 = arith.constant 640 : i32
    %mul3A_20 = arith.muli %arg1, %mul3A_19 : i32
    %add3A_21 = arith.constant 384 : i32
    %add3A_22 = arith.addi %mul3A_20, %add3A_21 : i32
    "tpu.region"() ({
      %run_scoped3A = tpu.sem_alloc : memref<!tpu.dma_semaphore, #tpu.memory_space<semaphore_mem>>
      %dma_start3A = arith.constant 0 : i32
      %dma_start3A_75 = tpu.memref_slice %arg12[%add3A_22, %dma_start3A] : memref<10240x128xf32, #tpu.memory_space<vmem_shared>> -> memref<128x128xf32, #tpu.memory_space<vmem_shared>>
      %dma_start3A_76 = arith.constant 0 : i32
      %dma_start3A_77 = tpu.memref_slice %arg12[%add3A_22, %dma_start3A_76] : memref<10240x128xf32, #tpu.memory_space<vmem_shared>> -> memref<128x128xf32, #tpu.memory_space<vmem_shared>>
      tpu.enqueue_dma source(%arg11 : memref<128x128xf32, #tpu.memory_space<vmem>>) target(%dma_start3A_77 : memref<128x128xf32, #tpu.memory_space<vmem_shared>>) target_semaphore(%run_scoped3A : memref<!tpu.dma_semaphore, #tpu.memory_space<semaphore_mem>>)
      %dma_wait3A = arith.constant 0 : i32
      %dma_wait3A_78 = tpu.memref_slice %arg12[%add3A_22, %dma_wait3A] : memref<10240x128xf32, #tpu.memory_space<vmem_shared>> -> memref<128x128xf32, #tpu.memory_space<vmem_shared>>
      %dma_wait3A_79 = arith.constant 0 : i32
      %dma_wait3A_80 = tpu.memref_slice %arg12[%add3A_22, %dma_wait3A_79] : memref<10240x128xf32, #tpu.memory_space<vmem_shared>> -> memref<128x128xf32, #tpu.memory_space<vmem_shared>>
      tpu.wait_dma2 semaphore(%run_scoped3A : memref<!tpu.dma_semaphore, #tpu.memory_space<semaphore_mem>>) src(%arg11 : memref<128x128xf32, #tpu.memory_space<vmem>>) dst(%dma_wait3A_80 : memref<128x128xf32, #tpu.memory_space<vmem_shared>>)
      tpu.yield
    }) : () -> ()
    %mul3A_23 = arith.constant 640 : i32
    %mul3A_24 = arith.muli %arg1, %mul3A_23 : i32
    %add3A_25 = arith.constant 512 : i32
    %add3A_26 = arith.addi %mul3A_24, %add3A_25 : i32
    "tpu.region"() ({
      %run_scoped3A = tpu.sem_alloc : memref<!tpu.dma_semaphore, #tpu.memory_space<semaphore_mem>>
      %dma_start3A = arith.constant 0 : i32
      %dma_start3A_75 = tpu.memref_slice %arg12[%add3A_26, %dma_start3A] : memref<10240x128xf32, #tpu.memory_space<vmem_shared>> -> memref<128x128xf32, #tpu.memory_space<vmem_shared>>
      %dma_start3A_76 = arith.constant 0 : i32
      %dma_start3A_77 = tpu.memref_slice %arg12[%add3A_26, %dma_start3A_76] : memref<10240x128xf32, #tpu.memory_space<vmem_shared>> -> memref<128x128xf32, #tpu.memory_space<vmem_shared>>
      tpu.enqueue_dma source(%arg11 : memref<128x128xf32, #tpu.memory_space<vmem>>) target(%dma_start3A_77 : memref<128x128xf32, #tpu.memory_space<vmem_shared>>) target_semaphore(%run_scoped3A : memref<!tpu.dma_semaphore, #tpu.memory_space<semaphore_mem>>)
      %dma_wait3A = arith.constant 0 : i32
      %dma_wait3A_78 = tpu.memref_slice %arg12[%add3A_26, %dma_wait3A] : memref<10240x128xf32, #tpu.memory_space<vmem_shared>> -> memref<128x128xf32, #tpu.memory_space<vmem_shared>>
      %dma_wait3A_79 = arith.constant 0 : i32
      %dma_wait3A_80 = tpu.memref_slice %arg12[%add3A_26, %dma_wait3A_79] : memref<10240x128xf32, #tpu.memory_space<vmem_shared>> -> memref<128x128xf32, #tpu.memory_space<vmem_shared>>
      tpu.wait_dma2 semaphore(%run_scoped3A : memref<!tpu.dma_semaphore, #tpu.memory_space<semaphore_mem>>) src(%arg11 : memref<128x128xf32, #tpu.memory_space<vmem>>) dst(%dma_wait3A_80 : memref<128x128xf32, #tpu.memory_space<vmem_shared>>)
      tpu.yield
    }) : () -> ()
    %barrier3A = arith.constant 0 : index
    tpu.barrier barrier_id(%barrier3A)
    %scan3A_27 = arith.constant 0 : i32
    %scan3A_28 = arith.constant 0 : i32
    %scan3A_29 = arith.constant 125 : i32
    %scan3A_30 = arith.addi %scan3A_28, %scan3A_29 : i32
    %scan3A_31 = arith.constant 1 : i32
    %scan3A_32 = scf.for %scan3A_75 = %scan3A_28 to %scan3A_30 step %scan3A_31 iter_args(%scan3A_76 = %scan3A_27) -> (i32)  : i32 {
      %mul3A_77 = arith.constant 10000 : i32
      %mul3A_78 = arith.muli %add3A, %mul3A_77 : i32
      %mul3A_79 = arith.constant 80 : i32
      %mul3A_80 = arith.muli %scan3A_75, %mul3A_79 : i32
      %add3A_81 = arith.addi %mul3A_78, %mul3A_80 : i32
      %dma_start3A = tpu.memref_slice %arg3[%add3A_81] : memref<320000xi32, #tpu.memory_space<hbm>> -> memref<80xi32, #tpu.memory_space<hbm>>
      %dma_start3A_82 = tpu.memref_slice %arg3[%add3A_81] : memref<320000xi32, #tpu.memory_space<hbm>> -> memref<80xi32, #tpu.memory_space<hbm>>
      tpu.enqueue_dma source(%dma_start3A_82 : memref<80xi32, #tpu.memory_space<hbm>>) target(%arg7 : memref<80xi32, #tpu.memory_space<vmem>>) target_semaphore(%arg14 : memref<!tpu.dma_semaphore, #tpu.memory_space<semaphore_mem>>)
      %dma_start3A_83 = tpu.memref_slice %arg2[%add3A_81] : memref<320000xi32, #tpu.memory_space<hbm>> -> memref<80xi32, #tpu.memory_space<hbm>>
      %dma_start3A_84 = tpu.memref_slice %arg2[%add3A_81] : memref<320000xi32, #tpu.memory_space<hbm>> -> memref<80xi32, #tpu.memory_space<hbm>>
      tpu.enqueue_dma source(%dma_start3A_84 : memref<80xi32, #tpu.memory_space<hbm>>) target(%arg8 : memref<80xi32, #tpu.memory_space<vmem>>) target_semaphore(%arg15 : memref<!tpu.dma_semaphore, #tpu.memory_space<semaphore_mem>>)
      %dma_wait3A = tpu.memref_slice %arg2[%add3A_81] : memref<320000xi32, #tpu.memory_space<hbm>> -> memref<80xi32, #tpu.memory_space<hbm>>
      %dma_wait3A_85 = tpu.memref_slice %arg2[%add3A_81] : memref<320000xi32, #tpu.memory_space<hbm>> -> memref<80xi32, #tpu.memory_space<hbm>>
      tpu.wait_dma2 semaphore(%arg15 : memref<!tpu.dma_semaphore, #tpu.memory_space<semaphore_mem>>) src(%dma_wait3A_85 : memref<80xi32, #tpu.memory_space<hbm>>) dst(%arg8 : memref<80xi32, #tpu.memory_space<vmem>>)
      %dma_start3A_86 = arith.constant 0 : i32
      %dma_start3A_87 = arith.constant 0 : i32
      %dma_start3A_88 = tpu.memref_slice %arg4[%dma_start3A_86, %dma_start3A_87] : memref<10000x128xf32, #tpu.memory_space<hbm>> -> memref<10000x128xf32, #tpu.memory_space<hbm>>
      tpu.enqueue_indirect_dma source(%dma_start3A_88 : memref<10000x128xf32, #tpu.memory_space<hbm>>) target(%arg9 : memref<80x128xf32, #tpu.memory_space<vmem>>) offsets(%arg8 : memref<80xi32, #tpu.memory_space<vmem>>) semaphore(%arg13 : memref<!tpu.dma_semaphore, #tpu.memory_space<semaphore_mem>>)
      %mul3A_89 = arith.constant 16 : i32
      %mul3A_90 = arith.muli %add3A_81, %mul3A_89 : i32
      %dma_start3A_91 = tpu.memref_slice %arg5[%mul3A_90] : memref<5120000xf32, #tpu.memory_space<hbm>> -> memref<1280xf32, #tpu.memory_space<hbm>>
      %dma_start3A_92 = tpu.memref_slice %arg5[%mul3A_90] : memref<5120000xf32, #tpu.memory_space<hbm>> -> memref<1280xf32, #tpu.memory_space<hbm>>
      tpu.enqueue_dma source(%dma_start3A_92 : memref<1280xf32, #tpu.memory_space<hbm>>) target(%arg10 : memref<1280xf32, #tpu.memory_space<vmem>>) target_semaphore(%arg16 : memref<!tpu.dma_semaphore, #tpu.memory_space<semaphore_mem>>)
      %dma_wait3A_93 = tpu.memref_slice %arg3[%add3A_81] : memref<320000xi32, #tpu.memory_space<hbm>> -> memref<80xi32, #tpu.memory_space<hbm>>
      %dma_wait3A_94 = tpu.memref_slice %arg3[%add3A_81] : memref<320000xi32, #tpu.memory_space<hbm>> -> memref<80xi32, #tpu.memory_space<hbm>>
      tpu.wait_dma2 semaphore(%arg14 : memref<!tpu.dma_semaphore, #tpu.memory_space<semaphore_mem>>) src(%dma_wait3A_94 : memref<80xi32, #tpu.memory_space<hbm>>) dst(%arg7 : memref<80xi32, #tpu.memory_space<vmem>>)
      %dma_wait3A_95 = tpu.memref_slice %arg5[%mul3A_90] : memref<5120000xf32, #tpu.memory_space<hbm>> -> memref<1280xf32, #tpu.memory_space<hbm>>
      %dma_wait3A_96 = tpu.memref_slice %arg5[%mul3A_90] : memref<5120000xf32, #tpu.memory_space<hbm>> -> memref<1280xf32, #tpu.memory_space<hbm>>
      tpu.wait_dma2 semaphore(%arg16 : memref<!tpu.dma_semaphore, #tpu.memory_space<semaphore_mem>>) src(%dma_wait3A_96 : memref<1280xf32, #tpu.memory_space<hbm>>) dst(%arg10 : memref<1280xf32, #tpu.memory_space<vmem>>)
      %dma_wait3A_97 = arith.constant 0 : i32
      %dma_wait3A_98 = arith.constant 0 : i32
      %dma_wait3A_99 = tpu.memref_slice %arg4[%dma_wait3A_97, %dma_wait3A_98] : memref<10000x128xf32, #tpu.memory_space<hbm>> -> memref<10000x128xf32, #tpu.memory_space<hbm>>
      tpu.wait_indirect_dma semaphore(%arg13 : memref<!tpu.dma_semaphore, #tpu.memory_space<semaphore_mem>>) src(%dma_wait3A_99 : memref<10000x128xf32, #tpu.memory_space<hbm>>) dst(%arg9 : memref<80x128xf32, #tpu.memory_space<vmem>>)
      %scan3A_100 = arith.constant 0 : i32
      %scan3A_101 = arith.constant 0 : i32
      %scan3A_102 = arith.constant 80 : i32
      %scan3A_103 = arith.addi %scan3A_101, %scan3A_102 : i32
      %scan3A_104 = arith.constant 1 : i32
      %scan3A_105 = scf.for %scan3A_108 = %scan3A_101 to %scan3A_103 step %scan3A_104 iter_args(%scan3A_109 = %scan3A_100) -> (i32)  : i32 {
        %mul3A_110 = arith.constant 16 : i32
        %mul3A_111 = arith.muli %scan3A_108, %mul3A_110 : i32
        %get3A = arith.index_cast %mul3A_111 : i32 to index
        %get3A_112 = tpu.vector_load %arg10[%get3A] {strides = array<i32>} : memref<1280xf32, #tpu.memory_space<vmem>>, vector<16xf32>,
        %get3A_113 = vector.shape_cast %get3A_112 : vector<16xf32> to vector<16xf32>
        %slice3A = vector.extract_strided_slice %get3A_113 {offsets = [0], sizes = [1], strides = [1]} : vector<16xf32> to vector<1xf32>
        %squeeze3A = vector.extract %slice3A[0] : f32 from vector<1xf32>
        %get3A_114 = arith.index_cast %scan3A_108 : i32 to index
        %get3A_115 = arith.constant 0 : index
        %get3A_116 = tpu.vector_load %arg9[%get3A_114, %get3A_115] {strides = array<i32>} : memref<80x128xf32, #tpu.memory_space<vmem>>, vector<1x16xf32>,
        %get3A_117 = vector.shape_cast %get3A_116 : vector<1x16xf32> to vector<16xf32>
        %mul3A_118 = vector.broadcast %squeeze3A : f32 to vector<16xf32>
        %mul3A_119 = arith.mulf %get3A_117, %mul3A_118 : vector<16xf32>
        %swap3A = arith.index_cast %scan3A_108 : i32 to index
        %swap3A_120 = arith.constant 0 : index
        %swap3A_121 = tpu.vector_load %arg9[%swap3A, %swap3A_120] {strides = array<i32>} : memref<80x128xf32, #tpu.memory_space<vmem>>, vector<1x16xf32>,
        %swap3A_122 = vector.shape_cast %swap3A_121 : vector<1x16xf32> to vector<16xf32>
        %swap3A_123 = vector.shape_cast %mul3A_119 : vector<16xf32> to vector<1x16xf32>
        tpu.vector_store %arg9[%swap3A, %swap3A_120], %swap3A_123 {strides = array<i32>} : memref<80x128xf32, #tpu.memory_space<vmem>>, vector<1x16xf32>,
        %slice3A_124 = vector.extract_strided_slice %get3A_113 {offsets = [1], sizes = [1], strides = [1]} : vector<16xf32> to vector<1xf32>
        %squeeze3A_125 = vector.extract %slice3A_124[0] : f32 from vector<1xf32>
        %get3A_126 = arith.index_cast %scan3A_108 : i32 to index
        %get3A_127 = arith.constant 16 : index
        %get3A_128 = tpu.vector_load %arg9[%get3A_126, %get3A_127] {strides = array<i32>} : memref<80x128xf32, #tpu.memory_space<vmem>>, vector<1x16xf32>,
        %get3A_129 = vector.shape_cast %get3A_128 : vector<1x16xf32> to vector<16xf32>
        %mul3A_130 = vector.broadcast %squeeze3A_125 : f32 to vector<16xf32>
        %mul3A_131 = arith.mulf %get3A_129, %mul3A_130 : vector<16xf32>
        %swap3A_132 = arith.index_cast %scan3A_108 : i32 to index
        %swap3A_133 = arith.constant 16 : index
        %swap3A_134 = tpu.vector_load %arg9[%swap3A_132, %swap3A_133] {strides = array<i32>} : memref<80x128xf32, #tpu.memory_space<vmem>>, vector<1x16xf32>,
        %swap3A_135 = vector.shape_cast %swap3A_134 : vector<1x16xf32> to vector<16xf32>
        %swap3A_136 = vector.shape_cast %mul3A_131 : vector<16xf32> to vector<1x16xf32>
        tpu.vector_store %arg9[%swap3A_132, %swap3A_133], %swap3A_136 {strides = array<i32>} : memref<80x128xf32, #tpu.memory_space<vmem>>, vector<1x16xf32>,
        %slice3A_137 = vector.extract_strided_slice %get3A_113 {offsets = [2], sizes = [1], strides = [1]} : vector<16xf32> to vector<1xf32>
        %squeeze3A_138 = vector.extract %slice3A_137[0] : f32 from vector<1xf32>
        %get3A_139 = arith.index_cast %scan3A_108 : i32 to index
        %get3A_140 = arith.constant 32 : index
        %get3A_141 = tpu.vector_load %arg9[%get3A_139, %get3A_140] {strides = array<i32>} : memref<80x128xf32, #tpu.memory_space<vmem>>, vector<1x16xf32>,
        %get3A_142 = vector.shape_cast %get3A_141 : vector<1x16xf32> to vector<16xf32>
        %mul3A_143 = vector.broadcast %squeeze3A_138 : f32 to vector<16xf32>
        %mul3A_144 = arith.mulf %get3A_142, %mul3A_143 : vector<16xf32>
        %swap3A_145 = arith.index_cast %scan3A_108 : i32 to index
        %swap3A_146 = arith.constant 32 : index
        %swap3A_147 = tpu.vector_load %arg9[%swap3A_145, %swap3A_146] {strides = array<i32>} : memref<80x128xf32, #tpu.memory_space<vmem>>, vector<1x16xf32>,
        %swap3A_148 = vector.shape_cast %swap3A_147 : vector<1x16xf32> to vector<16xf32>
        %swap3A_149 = vector.shape_cast %mul3A_144 : vector<16xf32> to vector<1x16xf32>
        tpu.vector_store %arg9[%swap3A_145, %swap3A_146], %swap3A_149 {strides = array<i32>} : memref<80x128xf32, #tpu.memory_space<vmem>>, vector<1x16xf32>,
        %slice3A_150 = vector.extract_strided_slice %get3A_113 {offsets = [3], sizes = [1], strides = [1]} : vector<16xf32> to vector<1xf32>
        %squeeze3A_151 = vector.extract %slice3A_150[0] : f32 from vector<1xf32>
        %get3A_152 = arith.index_cast %scan3A_108 : i32 to index
        %get3A_153 = arith.constant 48 : index
        %get3A_154 = tpu.vector_load %arg9[%get3A_152, %get3A_153] {strides = array<i32>} : memref<80x128xf32, #tpu.memory_space<vmem>>, vector<1x16xf32>,
        %get3A_155 = vector.shape_cast %get3A_154 : vector<1x16xf32> to vector<16xf32>
        %mul3A_156 = vector.broadcast %squeeze3A_151 : f32 to vector<16xf32>
        %mul3A_157 = arith.mulf %get3A_155, %mul3A_156 : vector<16xf32>
        %swap3A_158 = arith.index_cast %scan3A_108 : i32 to index
        %swap3A_159 = arith.constant 48 : index
        %swap3A_160 = tpu.vector_load %arg9[%swap3A_158, %swap3A_159] {strides = array<i32>} : memref<80x128xf32, #tpu.memory_space<vmem>>, vector<1x16xf32>,
        %swap3A_161 = vector.shape_cast %swap3A_160 : vector<1x16xf32> to vector<16xf32>
        %swap3A_162 = vector.shape_cast %mul3A_157 : vector<16xf32> to vector<1x16xf32>
        tpu.vector_store %arg9[%swap3A_158, %swap3A_159], %swap3A_162 {strides = array<i32>} : memref<80x128xf32, #tpu.memory_space<vmem>>, vector<1x16xf32>,
        %slice3A_163 = vector.extract_strided_slice %get3A_113 {offsets = [4], sizes = [1], strides = [1]} : vector<16xf32> to vector<1xf32>
        %squeeze3A_164 = vector.extract %slice3A_163[0] : f32 from vector<1xf32>
        %get3A_165 = arith.index_cast %scan3A_108 : i32 to index
        %get3A_166 = arith.constant 64 : index
        %get3A_167 = tpu.vector_load %arg9[%get3A_165, %get3A_166] {strides = array<i32>} : memref<80x128xf32, #tpu.memory_space<vmem>>, vector<1x16xf32>,
        %get3A_168 = vector.shape_cast %get3A_167 : vector<1x16xf32> to vector<16xf32>
        %mul3A_169 = vector.broadcast %squeeze3A_164 : f32 to vector<16xf32>
        %mul3A_170 = arith.mulf %get3A_168, %mul3A_169 : vector<16xf32>
        %swap3A_171 = arith.index_cast %scan3A_108 : i32 to index
        %swap3A_172 = arith.constant 64 : index
        %swap3A_173 = tpu.vector_load %arg9[%swap3A_171, %swap3A_172] {strides = array<i32>} : memref<80x128xf32, #tpu.memory_space<vmem>>, vector<1x16xf32>,
        %swap3A_174 = vector.shape_cast %swap3A_173 : vector<1x16xf32> to vector<16xf32>
        %swap3A_175 = vector.shape_cast %mul3A_170 : vector<16xf32> to vector<1x16xf32>
        tpu.vector_store %arg9[%swap3A_171, %swap3A_172], %swap3A_175 {strides = array<i32>} : memref<80x128xf32, #tpu.memory_space<vmem>>, vector<1x16xf32>,
        %slice3A_176 = vector.extract_strided_slice %get3A_113 {offsets = [5], sizes = [1], strides = [1]} : vector<16xf32> to vector<1xf32>
        %squeeze3A_177 = vector.extract %slice3A_176[0] : f32 from vector<1xf32>
        %get3A_178 = arith.index_cast %scan3A_108 : i32 to index
        %get3A_179 = arith.constant 80 : index
        %get3A_180 = tpu.vector_load %arg9[%get3A_178, %get3A_179] {strides = array<i32>} : memref<80x128xf32, #tpu.memory_space<vmem>>, vector<1x16xf32>,
        %get3A_181 = vector.shape_cast %get3A_180 : vector<1x16xf32> to vector<16xf32>
        %mul3A_182 = vector.broadcast %squeeze3A_177 : f32 to vector<16xf32>
        %mul3A_183 = arith.mulf %get3A_181, %mul3A_182 : vector<16xf32>
        %swap3A_184 = arith.index_cast %scan3A_108 : i32 to index
        %swap3A_185 = arith.constant 80 : index
        %swap3A_186 = tpu.vector_load %arg9[%swap3A_184, %swap3A_185] {strides = array<i32>} : memref<80x128xf32, #tpu.memory_space<vmem>>, vector<1x16xf32>,
        %swap3A_187 = vector.shape_cast %swap3A_186 : vector<1x16xf32> to vector<16xf32>
        %swap3A_188 = vector.shape_cast %mul3A_183 : vector<16xf32> to vector<1x16xf32>
        tpu.vector_store %arg9[%swap3A_184, %swap3A_185], %swap3A_188 {strides = array<i32>} : memref<80x128xf32, #tpu.memory_space<vmem>>, vector<1x16xf32>,
        %slice3A_189 = vector.extract_strided_slice %get3A_113 {offsets = [6], sizes = [1], strides = [1]} : vector<16xf32> to vector<1xf32>
        %squeeze3A_190 = vector.extract %slice3A_189[0] : f32 from vector<1xf32>
        %get3A_191 = arith.index_cast %scan3A_108 : i32 to index
        %get3A_192 = arith.constant 96 : index
        %get3A_193 = tpu.vector_load %arg9[%get3A_191, %get3A_192] {strides = array<i32>} : memref<80x128xf32, #tpu.memory_space<vmem>>, vector<1x16xf32>,
        %get3A_194 = vector.shape_cast %get3A_193 : vector<1x16xf32> to vector<16xf32>
        %mul3A_195 = vector.broadcast %squeeze3A_190 : f32 to vector<16xf32>
        %mul3A_196 = arith.mulf %get3A_194, %mul3A_195 : vector<16xf32>
        %swap3A_197 = arith.index_cast %scan3A_108 : i32 to index
        %swap3A_198 = arith.constant 96 : index
        %swap3A_199 = tpu.vector_load %arg9[%swap3A_197, %swap3A_198] {strides = array<i32>} : memref<80x128xf32, #tpu.memory_space<vmem>>, vector<1x16xf32>,
        %swap3A_200 = vector.shape_cast %swap3A_199 : vector<1x16xf32> to vector<16xf32>
        %swap3A_201 = vector.shape_cast %mul3A_196 : vector<16xf32> to vector<1x16xf32>
        tpu.vector_store %arg9[%swap3A_197, %swap3A_198], %swap3A_201 {strides = array<i32>} : memref<80x128xf32, #tpu.memory_space<vmem>>, vector<1x16xf32>,
        %slice3A_202 = vector.extract_strided_slice %get3A_113 {offsets = [7], sizes = [1], strides = [1]} : vector<16xf32> to vector<1xf32>
        %squeeze3A_203 = vector.extract %slice3A_202[0] : f32 from vector<1xf32>
        %get3A_204 = arith.index_cast %scan3A_108 : i32 to index
        %get3A_205 = arith.constant 112 : index
        %get3A_206 = tpu.vector_load %arg9[%get3A_204, %get3A_205] {strides = array<i32>} : memref<80x128xf32, #tpu.memory_space<vmem>>, vector<1x16xf32>,
        %get3A_207 = vector.shape_cast %get3A_206 : vector<1x16xf32> to vector<16xf32>
        %mul3A_208 = vector.broadcast %squeeze3A_203 : f32 to vector<16xf32>
        %mul3A_209 = arith.mulf %get3A_207, %mul3A_208 : vector<16xf32>
        %swap3A_210 = arith.index_cast %scan3A_108 : i32 to index
        %swap3A_211 = arith.constant 112 : index
        %swap3A_212 = tpu.vector_load %arg9[%swap3A_210, %swap3A_211] {strides = array<i32>} : memref<80x128xf32, #tpu.memory_space<vmem>>, vector<1x16xf32>,
        %swap3A_213 = vector.shape_cast %swap3A_212 : vector<1x16xf32> to vector<16xf32>
        %swap3A_214 = vector.shape_cast %mul3A_209 : vector<16xf32> to vector<1x16xf32>
        tpu.vector_store %arg9[%swap3A_210, %swap3A_211], %swap3A_214 {strides = array<i32>} : memref<80x128xf32, #tpu.memory_space<vmem>>, vector<1x16xf32>,
        %scan3A_215 = arith.constant 0 : i32
        scf.yield %scan3A_215 : i32
      }
      %scan3A_106 = arith.constant 80 : i32
      "tpu.region"() ({
        %run_scoped3A = tpu.sem_alloc : memref<!tpu.dma_semaphore, #tpu.memory_space<semaphore_mem>>
        %dma_start3A_108 = arith.constant 0 : i32
        %dma_start3A_109 = arith.constant 0 : i32
        %dma_start3A_110 = tpu.memref_slice %arg12[%dma_start3A_108, %dma_start3A_109] : memref<10240x128xf32, #tpu.memory_space<vmem_shared>> -> memref<10240x128xf32, #tpu.memory_space<vmem_shared>>
        tpu.enqueue_indirect_dma source(%arg9 : memref<80x128xf32, #tpu.memory_space<vmem>>) target(%dma_start3A_110 : memref<10240x128xf32, #tpu.memory_space<vmem_shared>>) offsets(%arg7 : memref<80xi32, #tpu.memory_space<vmem>>) semaphore(%run_scoped3A : memref<!tpu.dma_semaphore, #tpu.memory_space<semaphore_mem>>) {add = true}
        %dma_wait3A_111 = arith.constant 0 : i32
        %dma_wait3A_112 = arith.constant 0 : i32
        %dma_wait3A_113 = tpu.memref_slice %arg12[%dma_wait3A_111, %dma_wait3A_112] : memref<10240x128xf32, #tpu.memory_space<vmem_shared>> -> memref<10240x128xf32, #tpu.memory_space<vmem_shared>>
        tpu.wait_indirect_dma semaphore(%run_scoped3A : memref<!tpu.dma_semaphore, #tpu.memory_space<semaphore_mem>>) src(%arg9 : memref<80x128xf32, #tpu.memory_space<vmem>>) dst(%dma_wait3A_113 : memref<10240x128xf32, #tpu.memory_space<vmem_shared>>)
        tpu.yield
      }) : () -> ()
      %scan3A_107 = arith.constant 0 : i32
      scf.yield %scan3A_107 : i32
    }
    %scan3A_33 = arith.constant 125 : i32
    %barrier3A_34 = arith.constant 0 : index
    tpu.barrier barrier_id(%barrier3A_34)
    %mul3A_35 = arith.constant 640 : i32
    %mul3A_36 = arith.muli %arg1, %mul3A_35 : i32
    %add3A_37 = arith.constant 0 : i32
    %add3A_38 = arith.addi %mul3A_36, %add3A_37 : i32
    %mul3A_39 = arith.constant 640 : i32
    %mul3A_40 = arith.muli %arg1, %mul3A_39 : i32
    %add3A_41 = arith.constant 0 : i32
    %add3A_42 = arith.addi %mul3A_40, %add3A_41 : i32
    "tpu.region"() ({
      %run_scoped3A = tpu.sem_alloc : memref<!tpu.dma_semaphore, #tpu.memory_space<semaphore_mem>>
      %dma_start3A = arith.constant 0 : i32
      %dma_start3A_75 = tpu.memref_slice %arg6[%arg0, %add3A_42, %dma_start3A] : memref<2x10240x128xf32, #tpu.memory_space<hbm>> -> memref<1x128x128xf32, #tpu.memory_space<hbm>>
      %dma_start3A_76 = tpu.memref_squeeze %dma_start3A_75 : memref<1x128x128xf32, #tpu.memory_space<hbm>> -> memref<128x128xf32, #tpu.memory_space<hbm>>
      %dma_start3A_77 = arith.constant 0 : i32
      %dma_start3A_78 = tpu.memref_slice %arg12[%add3A_38, %dma_start3A_77] : memref<10240x128xf32, #tpu.memory_space<vmem_shared>> -> memref<128x128xf32, #tpu.memory_space<vmem_shared>>
      tpu.enqueue_dma source(%dma_start3A_78 : memref<128x128xf32, #tpu.memory_space<vmem_shared>>) target(%dma_start3A_76 : memref<128x128xf32, #tpu.memory_space<hbm>>) target_semaphore(%run_scoped3A : memref<!tpu.dma_semaphore, #tpu.memory_space<semaphore_mem>>)
      %dma_wait3A = arith.constant 0 : i32
      %dma_wait3A_79 = tpu.memref_slice %arg6[%arg0, %add3A_42, %dma_wait3A] : memref<2x10240x128xf32, #tpu.memory_space<hbm>> -> memref<1x128x128xf32, #tpu.memory_space<hbm>>
      %dma_wait3A_80 = tpu.memref_squeeze %dma_wait3A_79 : memref<1x128x128xf32, #tpu.memory_space<hbm>> -> memref<128x128xf32, #tpu.memory_space<hbm>>
      %dma_wait3A_81 = arith.constant 0 : i32
      %dma_wait3A_82 = tpu.memref_slice %arg12[%add3A_38, %dma_wait3A_81] : memref<10240x128xf32, #tpu.memory_space<vmem_shared>> -> memref<128x128xf32, #tpu.memory_space<vmem_shared>>
      tpu.wait_dma2 semaphore(%run_scoped3A : memref<!tpu.dma_semaphore, #tpu.memory_space<semaphore_mem>>) src(%dma_wait3A_82 : memref<128x128xf32, #tpu.memory_space<vmem_shared>>) dst(%dma_wait3A_80 : memref<128x128xf32, #tpu.memory_space<hbm>>)
      tpu.yield
    }) : () -> ()
    %mul3A_43 = arith.constant 640 : i32
    %mul3A_44 = arith.muli %arg1, %mul3A_43 : i32
    %add3A_45 = arith.constant 128 : i32
    %add3A_46 = arith.addi %mul3A_44, %add3A_45 : i32
    %mul3A_47 = arith.constant 640 : i32
    %mul3A_48 = arith.muli %arg1, %mul3A_47 : i32
    %add3A_49 = arith.constant 128 : i32
    %add3A_50 = arith.addi %mul3A_48, %add3A_49 : i32
    "tpu.region"() ({
      %run_scoped3A = tpu.sem_alloc : memref<!tpu.dma_semaphore, #tpu.memory_space<semaphore_mem>>
      %dma_start3A = arith.constant 0 : i32
      %dma_start3A_75 = tpu.memref_slice %arg6[%arg0, %add3A_50, %dma_start3A] : memref<2x10240x128xf32, #tpu.memory_space<hbm>> -> memref<1x128x128xf32, #tpu.memory_space<hbm>>
      %dma_start3A_76 = tpu.memref_squeeze %dma_start3A_75 : memref<1x128x128xf32, #tpu.memory_space<hbm>> -> memref<128x128xf32, #tpu.memory_space<hbm>>
      %dma_start3A_77 = arith.constant 0 : i32
      %dma_start3A_78 = tpu.memref_slice %arg12[%add3A_46, %dma_start3A_77] : memref<10240x128xf32, #tpu.memory_space<vmem_shared>> -> memref<128x128xf32, #tpu.memory_space<vmem_shared>>
      tpu.enqueue_dma source(%dma_start3A_78 : memref<128x128xf32, #tpu.memory_space<vmem_shared>>) target(%dma_start3A_76 : memref<128x128xf32, #tpu.memory_space<hbm>>) target_semaphore(%run_scoped3A : memref<!tpu.dma_semaphore, #tpu.memory_space<semaphore_mem>>)
      %dma_wait3A = arith.constant 0 : i32
      %dma_wait3A_79 = tpu.memref_slice %arg6[%arg0, %add3A_50, %dma_wait3A] : memref<2x10240x128xf32, #tpu.memory_space<hbm>> -> memref<1x128x128xf32, #tpu.memory_space<hbm>>
      %dma_wait3A_80 = tpu.memref_squeeze %dma_wait3A_79 : memref<1x128x128xf32, #tpu.memory_space<hbm>> -> memref<128x128xf32, #tpu.memory_space<hbm>>
      %dma_wait3A_81 = arith.constant 0 : i32
      %dma_wait3A_82 = tpu.memref_slice %arg12[%add3A_46, %dma_wait3A_81] : memref<10240x128xf32, #tpu.memory_space<vmem_shared>> -> memref<128x128xf32, #tpu.memory_space<vmem_shared>>
      tpu.wait_dma2 semaphore(%run_scoped3A : memref<!tpu.dma_semaphore, #tpu.memory_space<semaphore_mem>>) src(%dma_wait3A_82 : memref<128x128xf32, #tpu.memory_space<vmem_shared>>) dst(%dma_wait3A_80 : memref<128x128xf32, #tpu.memory_space<hbm>>)
      tpu.yield
    }) : () -> ()
    %mul3A_51 = arith.constant 640 : i32
    %mul3A_52 = arith.muli %arg1, %mul3A_51 : i32
    %add3A_53 = arith.constant 256 : i32
    %add3A_54 = arith.addi %mul3A_52, %add3A_53 : i32
    %mul3A_55 = arith.constant 640 : i32
    %mul3A_56 = arith.muli %arg1, %mul3A_55 : i32
    %add3A_57 = arith.constant 256 : i32
    %add3A_58 = arith.addi %mul3A_56, %add3A_57 : i32
    "tpu.region"() ({
      %run_scoped3A = tpu.sem_alloc : memref<!tpu.dma_semaphore, #tpu.memory_space<semaphore_mem>>
      %dma_start3A = arith.constant 0 : i32
      %dma_start3A_75 = tpu.memref_slice %arg6[%arg0, %add3A_58, %dma_start3A] : memref<2x10240x128xf32, #tpu.memory_space<hbm>> -> memref<1x128x128xf32, #tpu.memory_space<hbm>>
      %dma_start3A_76 = tpu.memref_squeeze %dma_start3A_75 : memref<1x128x128xf32, #tpu.memory_space<hbm>> -> memref<128x128xf32, #tpu.memory_space<hbm>>
      %dma_start3A_77 = arith.constant 0 : i32
      %dma_start3A_78 = tpu.memref_slice %arg12[%add3A_54, %dma_start3A_77] : memref<10240x128xf32, #tpu.memory_space<vmem_shared>> -> memref<128x128xf32, #tpu.memory_space<vmem_shared>>
      tpu.enqueue_dma source(%dma_start3A_78 : memref<128x128xf32, #tpu.memory_space<vmem_shared>>) target(%dma_start3A_76 : memref<128x128xf32, #tpu.memory_space<hbm>>) target_semaphore(%run_scoped3A : memref<!tpu.dma_semaphore, #tpu.memory_space<semaphore_mem>>)
      %dma_wait3A = arith.constant 0 : i32
      %dma_wait3A_79 = tpu.memref_slice %arg6[%arg0, %add3A_58, %dma_wait3A] : memref<2x10240x128xf32, #tpu.memory_space<hbm>> -> memref<1x128x128xf32, #tpu.memory_space<hbm>>
      %dma_wait3A_80 = tpu.memref_squeeze %dma_wait3A_79 : memref<1x128x128xf32, #tpu.memory_space<hbm>> -> memref<128x128xf32, #tpu.memory_space<hbm>>
      %dma_wait3A_81 = arith.constant 0 : i32
      %dma_wait3A_82 = tpu.memref_slice %arg12[%add3A_54, %dma_wait3A_81] : memref<10240x128xf32, #tpu.memory_space<vmem_shared>> -> memref<128x128xf32, #tpu.memory_space<vmem_shared>>
      tpu.wait_dma2 semaphore(%run_scoped3A : memref<!tpu.dma_semaphore, #tpu.memory_space<semaphore_mem>>) src(%dma_wait3A_82 : memref<128x128xf32, #tpu.memory_space<vmem_shared>>) dst(%dma_wait3A_80 : memref<128x128xf32, #tpu.memory_space<hbm>>)
      tpu.yield
    }) : () -> ()
    %mul3A_59 = arith.constant 640 : i32
    %mul3A_60 = arith.muli %arg1, %mul3A_59 : i32
    %add3A_61 = arith.constant 384 : i32
    %add3A_62 = arith.addi %mul3A_60, %add3A_61 : i32
    %mul3A_63 = arith.constant 640 : i32
    %mul3A_64 = arith.muli %arg1, %mul3A_63 : i32
    %add3A_65 = arith.constant 384 : i32
    %add3A_66 = arith.addi %mul3A_64, %add3A_65 : i32
    "tpu.region"() ({
      %run_scoped3A = tpu.sem_alloc : memref<!tpu.dma_semaphore, #tpu.memory_space<semaphore_mem>>
      %dma_start3A = arith.constant 0 : i32
      %dma_start3A_75 = tpu.memref_slice %arg6[%arg0, %add3A_66, %dma_start3A] : memref<2x10240x128xf32, #tpu.memory_space<hbm>> -> memref<1x128x128xf32, #tpu.memory_space<hbm>>
      %dma_start3A_76 = tpu.memref_squeeze %dma_start3A_75 : memref<1x128x128xf32, #tpu.memory_space<hbm>> -> memref<128x128xf32, #tpu.memory_space<hbm>>
      %dma_start3A_77 = arith.constant 0 : i32
      %dma_start3A_78 = tpu.memref_slice %arg12[%add3A_62, %dma_start3A_77] : memref<10240x128xf32, #tpu.memory_space<vmem_shared>> -> memref<128x128xf32, #tpu.memory_space<vmem_shared>>
      tpu.enqueue_dma source(%dma_start3A_78 : memref<128x128xf32, #tpu.memory_space<vmem_shared>>) target(%dma_start3A_76 : memref<128x128xf32, #tpu.memory_space<hbm>>) target_semaphore(%run_scoped3A : memref<!tpu.dma_semaphore, #tpu.memory_space<semaphore_mem>>)
      %dma_wait3A = arith.constant 0 : i32
      %dma_wait3A_79 = tpu.memref_slice %arg6[%arg0, %add3A_66, %dma_wait3A] : memref<2x10240x128xf32, #tpu.memory_space<hbm>> -> memref<1x128x128xf32, #tpu.memory_space<hbm>>
      %dma_wait3A_80 = tpu.memref_squeeze %dma_wait3A_79 : memref<1x128x128xf32, #tpu.memory_space<hbm>> -> memref<128x128xf32, #tpu.memory_space<hbm>>
      %dma_wait3A_81 = arith.constant 0 : i32
      %dma_wait3A_82 = tpu.memref_slice %arg12[%add3A_62, %dma_wait3A_81] : memref<10240x128xf32, #tpu.memory_space<vmem_shared>> -> memref<128x128xf32, #tpu.memory_space<vmem_shared>>
      tpu.wait_dma2 semaphore(%run_scoped3A : memref<!tpu.dma_semaphore, #tpu.memory_space<semaphore_mem>>) src(%dma_wait3A_82 : memref<128x128xf32, #tpu.memory_space<vmem_shared>>) dst(%dma_wait3A_80 : memref<128x128xf32, #tpu.memory_space<hbm>>)
      tpu.yield
    }) : () -> ()
    %mul3A_67 = arith.constant 640 : i32
    %mul3A_68 = arith.muli %arg1, %mul3A_67 : i32
    %add3A_69 = arith.constant 512 : i32
    %add3A_70 = arith.addi %mul3A_68, %add3A_69 : i32
    %mul3A_71 = arith.constant 640 : i32
    %mul3A_72 = arith.muli %arg1, %mul3A_71 : i32
    %add3A_73 = arith.constant 512 : i32
    %add3A_74 = arith.addi %mul3A_72, %add3A_73 : i32
    "tpu.region"() ({
      %run_scoped3A = tpu.sem_alloc : memref<!tpu.dma_semaphore, #tpu.memory_space<semaphore_mem>>
      %dma_start3A = arith.constant 0 : i32
      %dma_start3A_75 = tpu.memref_slice %arg6[%arg0, %add3A_74, %dma_start3A] : memref<2x10240x128xf32, #tpu.memory_space<hbm>> -> memref<1x128x128xf32, #tpu.memory_space<hbm>>
      %dma_start3A_76 = tpu.memref_squeeze %dma_start3A_75 : memref<1x128x128xf32, #tpu.memory_space<hbm>> -> memref<128x128xf32, #tpu.memory_space<hbm>>
      %dma_start3A_77 = arith.constant 0 : i32
      %dma_start3A_78 = tpu.memref_slice %arg12[%add3A_70, %dma_start3A_77] : memref<10240x128xf32, #tpu.memory_space<vmem_shared>> -> memref<128x128xf32, #tpu.memory_space<vmem_shared>>
      tpu.enqueue_dma source(%dma_start3A_78 : memref<128x128xf32, #tpu.memory_space<vmem_shared>>) target(%dma_start3A_76 : memref<128x128xf32, #tpu.memory_space<hbm>>) target_semaphore(%run_scoped3A : memref<!tpu.dma_semaphore, #tpu.memory_space<semaphore_mem>>)
      %dma_wait3A = arith.constant 0 : i32
      %dma_wait3A_79 = tpu.memref_slice %arg6[%arg0, %add3A_74, %dma_wait3A] : memref<2x10240x128xf32, #tpu.memory_space<hbm>> -> memref<1x128x128xf32, #tpu.memory_space<hbm>>
      %dma_wait3A_80 = tpu.memref_squeeze %dma_wait3A_79 : memref<1x128x128xf32, #tpu.memory_space<hbm>> -> memref<128x128xf32, #tpu.memory_space<hbm>>
      %dma_wait3A_81 = arith.constant 0 : i32
      %dma_wait3A_82 = tpu.memref_slice %arg12[%add3A_70, %dma_wait3A_81] : memref<10240x128xf32, #tpu.memory_space<vmem_shared>> -> memref<128x128xf32, #tpu.memory_space<vmem_shared>>
      tpu.wait_dma2 semaphore(%run_scoped3A : memref<!tpu.dma_semaphore, #tpu.memory_space<semaphore_mem>>) src(%dma_wait3A_82 : memref<128x128xf32, #tpu.memory_space<vmem_shared>>) dst(%dma_wait3A_80 : memref<128x128xf32, #tpu.memory_space<hbm>>)
      tpu.yield
    }) : () -> ()
    return
  }
}

module attributes {stable_mosaic.version = 14 : i64} {
  func.func @_lin_body(%arg0: i32, %arg1: memref<1000x128xf32, #tpu.memory_space<vmem>>, %arg2: memref<128x128xf32, #tpu.memory_space<vmem>>, %arg3: memref<1x128xf32, #tpu.memory_space<vmem>>, %arg4: memref<128x128xf32, #tpu.memory_space<vmem>>, %arg5: memref<1000x128xf32, #tpu.memory_space<vmem>>, %arg6: memref<1000x128xf32, #tpu.memory_space<vmem>>) attributes {dimension_semantics = [#tpu.dimension_semantics<arbitrary>], iteration_bounds = array<i64: 10>, scalar_prefetch = 0 : i64, scratch_operands = 0 : i64, tpu.core_type = #tpu.core_type<tc>, window_params = [{transform_indices = @transform_0, window_bounds = array<i64: 1000, 128>}, {pipeline_mode = #tpu.pipeline_mode<synchronous>, transform_indices = @transform_1, window_bounds = array<i64: 128, 128>}, {pipeline_mode = #tpu.pipeline_mode<synchronous>, transform_indices = @transform_2, window_bounds = array<i64: 1, 128>}, {pipeline_mode = #tpu.pipeline_mode<synchronous>, transform_indices = @transform_3, window_bounds = array<i64: 128, 128>}, {transform_indices = @transform_4, window_bounds = array<i64: 1000, 128>}, {transform_indices = @transform_5, window_bounds = array<i64: 1000, 128>}]} {
    %get3A = arith.constant 0 : index
    %get3A_0 = arith.constant 0 : index
    %get3A_1 = vector.load %arg1[%get3A, %get3A_0] : memref<1000x128xf32, #tpu.memory_space<vmem>>, vector<1000x128xf32>
    %get3A_2 = arith.constant 0 : index
    %get3A_3 = arith.constant 0 : index
    %get3A_4 = vector.load %arg2[%get3A_2, %get3A_3] : memref<128x128xf32, #tpu.memory_space<vmem>>, vector<128x128xf32>
    %dot_general3A = arith.constant dense<0.000000e+00> : vector<1000x128xf32>
    %dot_general3A_5 = tpu.matmul %get3A_1, %get3A_4, %dot_general3A {dimension_numbers = #tpu.dot_dimension_numbers<[1], [0], [0], [1], [0, 0, 1, 1], [], []>, transpose_lhs_hint = false} : vector<1000x128xf32>, vector<128x128xf32>, vector<1000x128xf32> -> vector<1000x128xf32>
    %get3A_6 = arith.constant 0 : index
    %get3A_7 = arith.constant 0 : index
    %get3A_8 = vector.load %arg3[%get3A_6, %get3A_7] : memref<1x128xf32, #tpu.memory_space<vmem>>, vector<1x128xf32>
    %add3A = vector.broadcast %get3A_8 : vector<1x128xf32> to vector<1000x128xf32>
    %add3A_9 = arith.addf %dot_general3A_5, %add3A : vector<1000x128xf32>
    %swap3A = arith.constant 0 : index
    %swap3A_10 = arith.constant 0 : index
    %swap3A_11 = vector.load %arg5[%swap3A, %swap3A_10] : memref<1000x128xf32, #tpu.memory_space<vmem>>, vector<1000x128xf32>
    tpu.vector_store %arg5[%swap3A, %swap3A_10], %add3A_9 {strides = array<i32>} : memref<1000x128xf32, #tpu.memory_space<vmem>>, vector<1000x128xf32>,
    %get3A_12 = arith.constant 0 : index
    %get3A_13 = arith.constant 0 : index
    %get3A_14 = vector.load %arg4[%get3A_12, %get3A_13] : memref<128x128xf32, #tpu.memory_space<vmem>>, vector<128x128xf32>
    %dot_general3A_15 = arith.constant dense<0.000000e+00> : vector<1000x128xf32>
    %dot_general3A_16 = tpu.matmul %add3A_9, %get3A_14, %dot_general3A_15 {dimension_numbers = #tpu.dot_dimension_numbers<[1], [0], [0], [1], [0, 0, 1, 1], [], []>, transpose_lhs_hint = false} : vector<1000x128xf32>, vector<128x128xf32>, vector<1000x128xf32> -> vector<1000x128xf32>
    %swap3A_17 = arith.constant 0 : index
    %swap3A_18 = arith.constant 0 : index
    %swap3A_19 = vector.load %arg6[%swap3A_17, %swap3A_18] : memref<1000x128xf32, #tpu.memory_space<vmem>>, vector<1000x128xf32>
    tpu.vector_store %arg6[%swap3A_17, %swap3A_18], %dot_general3A_16 {strides = array<i32>} : memref<1000x128xf32, #tpu.memory_space<vmem>>, vector<1000x128xf32>,
    return
  }
  func.func @transform_0(%arg0: i32) -> (i32, i32) {
    %c0_i32 = arith.constant 0 : i32
    %c0_i32_0 = arith.constant 0 : i32
    return %arg0, %c0_i32 : i32, i32
  }
  func.func @transform_1(%arg0: i32) -> (i32, i32) {
    %c0_i32 = arith.constant 0 : i32
    %c0_i32_0 = arith.constant 0 : i32
    %c0_i32_1 = arith.constant 0 : i32
    return %c0_i32, %c0_i32_0 : i32, i32
  }
  func.func @transform_2(%arg0: i32) -> (i32, i32) {
    %c0_i32 = arith.constant 0 : i32
    %c0_i32_0 = arith.constant 0 : i32
    %c0_i32_1 = arith.constant 0 : i32
    return %c0_i32, %c0_i32_0 : i32, i32
  }
  func.func @transform_3(%arg0: i32) -> (i32, i32) {
    %c0_i32 = arith.constant 0 : i32
    %c0_i32_0 = arith.constant 0 : i32
    %c0_i32_1 = arith.constant 0 : i32
    return %c0_i32, %c0_i32_0 : i32, i32
  }
  func.func @transform_4(%arg0: i32) -> (i32, i32) {
    %c0_i32 = arith.constant 0 : i32
    %c0_i32_0 = arith.constant 0 : i32
    return %arg0, %c0_i32 : i32, i32
  }
  func.func @transform_5(%arg0: i32) -> (i32, i32) {
    %c0_i32 = arith.constant 0 : i32
    %c0_i32_0 = arith.constant 0 : i32
    return %arg0, %c0_i32 : i32, i32
  }
}

module attributes {stable_mosaic.version = 14 : i64} {
  func.func @_fin_body(%arg0: i32, %arg1: memref<1000x128xf32, #tpu.memory_space<vmem>>, %arg2: memref<1000x128xf32, #tpu.memory_space<vmem>>, %arg3: memref<1000x128xf32, #tpu.memory_space<vmem>>, %arg4: memref<1000x128xf32, #tpu.memory_space<vmem>>, %arg5: memref<1000x128xf32, #tpu.memory_space<vmem>>, %arg6: memref<128x128xf32, #tpu.memory_space<vmem>>, %arg7: memref<128x128xf32, #tpu.memory_space<vmem>>, %arg8: memref<1000x128xf32, #tpu.memory_space<vmem>>) attributes {dimension_semantics = [#tpu.dimension_semantics<arbitrary>], iteration_bounds = array<i64: 10>, scalar_prefetch = 0 : i64, scratch_operands = 0 : i64, tpu.core_type = #tpu.core_type<tc>, window_params = [{transform_indices = @transform_0, window_bounds = array<i64: 1000, 128>}, {transform_indices = @transform_1, window_bounds = array<i64: 1000, 128>}, {transform_indices = @transform_2, window_bounds = array<i64: 1000, 128>}, {transform_indices = @transform_3, window_bounds = array<i64: 1000, 128>}, {transform_indices = @transform_4, window_bounds = array<i64: 1000, 128>}, {pipeline_mode = #tpu.pipeline_mode<synchronous>, transform_indices = @transform_5, window_bounds = array<i64: 128, 128>}, {transform_indices = @transform_6, window_bounds = array<i64: 128, 128>}, {transform_indices = @transform_7, window_bounds = array<i64: 1000, 128>}]} {
    %get3A = arith.constant 0 : index
    %get3A_0 = arith.constant 0 : index
    %get3A_1 = vector.load %arg3[%get3A, %get3A_0] : memref<1000x128xf32, #tpu.memory_space<vmem>>, vector<1000x128xf32>
    %get3A_2 = arith.constant 0 : index
    %get3A_3 = arith.constant 0 : index
    %get3A_4 = vector.load %arg4[%get3A_2, %get3A_3] : memref<1000x128xf32, #tpu.memory_space<vmem>>, vector<1000x128xf32>
    %add3A = arith.addf %get3A_1, %get3A_4 : vector<1000x128xf32>
    %iota3A = tpu.iota {dimensions = array<i32: 1>} : vector<1000x128xi32>
    %lt3A = arith.constant 8 : i32
    %lt3A_5 = vector.broadcast %lt3A : i32 to vector<1000x128xi32>
    %lt3A_6 = arith.cmpi slt, %iota3A, %lt3A_5 : vector<1000x128xi32>
    %add3A_7 = arith.constant 1.000000e-16 : f32
    %add3A_8 = vector.broadcast %add3A_7 : f32 to vector<1000x128xf32>
    %add3A_9 = arith.addf %add3A, %add3A_8 : vector<1000x128xf32>
    %div3A = arith.constant 1.000000e+00 : f32
    %div3A_10 = vector.broadcast %div3A : f32 to vector<1000x128xf32>
    %div3A_11 = arith.divf %div3A_10, %add3A_9 : vector<1000x128xf32>
    %jit3A = arith.constant 0.000000e+00 : f32
    %broadcast_in_dim3A = vector.broadcast %jit3A : f32 to vector<1000x128xf32>
    %select_n3A = arith.select %lt3A_6, %div3A_11, %broadcast_in_dim3A : vector<1000x128xi1>, vector<1000x128xf32>
    %eq3A = arith.constant 8 : i32
    %eq3A_12 = vector.broadcast %eq3A : i32 to vector<1000x128xi32>
    %eq3A_13 = arith.cmpi eq, %iota3A, %eq3A_12 : vector<1000x128xi32>
    %jit3A_14 = arith.constant 0.000000e+00 : f32
    %broadcast_in_dim3A_15 = vector.broadcast %jit3A_14 : f32 to vector<1000x128xf32>
    %select_n3A_16 = arith.select %eq3A_13, %add3A, %broadcast_in_dim3A_15 : vector<1000x128xi1>, vector<1000x128xf32>
    %get3A_17 = arith.constant 0 : index
    %get3A_18 = arith.constant 0 : index
    %get3A_19 = vector.load %arg6[%get3A_17, %get3A_18] : memref<128x128xf32, #tpu.memory_space<vmem>>, vector<128x128xf32>
    %dot_general3A = arith.constant dense<0.000000e+00> : vector<1000x128xf32>
    %dot_general3A_20 = tpu.matmul %select_n3A, %get3A_19, %dot_general3A {dimension_numbers = #tpu.dot_dimension_numbers<[1], [0], [0], [1], [0, 0, 1, 1], [], []>, transpose_lhs_hint = false} : vector<1000x128xf32>, vector<128x128xf32>, vector<1000x128xf32> -> vector<1000x128xf32>
    %get3A_21 = arith.constant 0 : index
    %get3A_22 = arith.constant 0 : index
    %get3A_23 = vector.load %arg7[%get3A_21, %get3A_22] : memref<128x128xf32, #tpu.memory_space<vmem>>, vector<128x128xf32>
    %dot_general3A_24 = arith.constant dense<0.000000e+00> : vector<1000x128xf32>
    %dot_general3A_25 = tpu.matmul %select_n3A_16, %get3A_23, %dot_general3A_24 {dimension_numbers = #tpu.dot_dimension_numbers<[1], [0], [0], [1], [0, 0, 1, 1], [], []>, transpose_lhs_hint = false} : vector<1000x128xf32>, vector<128x128xf32>, vector<1000x128xf32> -> vector<1000x128xf32>
    %get3A_26 = arith.constant 0 : index
    %get3A_27 = arith.constant 0 : index
    %get3A_28 = vector.load %arg1[%get3A_26, %get3A_27] : memref<1000x128xf32, #tpu.memory_space<vmem>>, vector<1000x128xf32>
    %get3A_29 = arith.constant 0 : index
    %get3A_30 = arith.constant 0 : index
    %get3A_31 = vector.load %arg2[%get3A_29, %get3A_30] : memref<1000x128xf32, #tpu.memory_space<vmem>>, vector<1000x128xf32>
    %add3A_32 = arith.addf %get3A_28, %get3A_31 : vector<1000x128xf32>
    %mul3A = arith.mulf %add3A_32, %dot_general3A_20 : vector<1000x128xf32>
    %get3A_33 = arith.constant 0 : index
    %get3A_34 = arith.constant 0 : index
    %get3A_35 = vector.load %arg5[%get3A_33, %get3A_34] : memref<1000x128xf32, #tpu.memory_space<vmem>>, vector<1000x128xf32>
    %mul3A_36 = arith.mulf %dot_general3A_25, %get3A_35 : vector<1000x128xf32>
    %add3A_37 = arith.addf %mul3A, %mul3A_36 : vector<1000x128xf32>
    %gt3A = arith.constant 0.000000e+00 : f32
    %gt3A_38 = vector.broadcast %gt3A : f32 to vector<1000x128xf32>
    %gt3A_39 = arith.cmpf ogt, %add3A_37, %gt3A_38 : vector<1000x128xf32>
    %exp3A = math.exp %add3A_37 : vector<1000x128xf32>
    %sub3A = arith.constant 1.000000e+00 : f32
    %sub3A_40 = vector.broadcast %sub3A : f32 to vector<1000x128xf32>
    %sub3A_41 = arith.subf %exp3A, %sub3A_40 : vector<1000x128xf32>
    %select_n3A_42 = arith.select %gt3A_39, %add3A_37, %sub3A_41 : vector<1000x128xi1>, vector<1000x128xf32>
    %swap3A = arith.constant 0 : index
    %swap3A_43 = arith.constant 0 : index
    %swap3A_44 = vector.load %arg8[%swap3A, %swap3A_43] : memref<1000x128xf32, #tpu.memory_space<vmem>>, vector<1000x128xf32>
    tpu.vector_store %arg8[%swap3A, %swap3A_43], %select_n3A_42 {strides = array<i32>} : memref<1000x128xf32, #tpu.memory_space<vmem>>, vector<1000x128xf32>,
    return
  }
  func.func @transform_0(%arg0: i32) -> (i32, i32) {
    %c0_i32 = arith.constant 0 : i32
    %c0_i32_0 = arith.constant 0 : i32
    return %arg0, %c0_i32 : i32, i32
  }
  func.func @transform_1(%arg0: i32) -> (i32, i32) {
    %c0_i32 = arith.constant 0 : i32
    %c0_i32_0 = arith.constant 0 : i32
    return %arg0, %c0_i32 : i32, i32
  }
  func.func @transform_2(%arg0: i32) -> (i32, i32) {
    %c0_i32 = arith.constant 0 : i32
    %c0_i32_0 = arith.constant 0 : i32
    return %arg0, %c0_i32 : i32, i32
  }
  func.func @transform_3(%arg0: i32) -> (i32, i32) {
    %c0_i32 = arith.constant 0 : i32
    %c0_i32_0 = arith.constant 0 : i32
    return %arg0, %c0_i32 : i32, i32
  }
  func.func @transform_4(%arg0: i32) -> (i32, i32) {
    %c0_i32 = arith.constant 0 : i32
    %c0_i32_0 = arith.constant 0 : i32
    return %arg0, %c0_i32 : i32, i32
  }
  func.func @transform_5(%arg0: i32) -> (i32, i32) {
    %c0_i32 = arith.constant 0 : i32
    %c0_i32_0 = arith.constant 0 : i32
    %c0_i32_1 = arith.constant 0 : i32
    return %c0_i32, %c0_i32_0 : i32, i32
  }
  func.func @transform_6(%arg0: i32) -> (i32, i32) {
    %c0_i32 = arith.constant 0 : i32
    %c0_i32_0 = arith.constant 0 : i32
    %c0_i32_1 = arith.constant 0 : i32
    return %c0_i32, %c0_i32_0 : i32, i32
  }
  func.func @transform_7(%arg0: i32) -> (i32, i32) {
    %c0_i32 = arith.constant 0 : i32
    %c0_i32_0 = arith.constant 0 : i32
    return %arg0, %c0_i32 : i32, i32
  }
}

</mosaic_0001>

<sc_bundles>
// kernel: kernel.6.cloned.1.call-start
scs
__scs_entry_jumppad:
0x0: {  	(pc) =	sbr.rel $0x88, $3  }
0x1: {  	(tag) =	ssettag $0x0;
	lr =	simm.s32 $0x1  }
0x2: {  	[smem:$0x3F9C] =	sst lr;
	_ =	strace $0xD0000000  }
0x3: {  	_ = 	snop  }
0x4: {  	_ = 	snop  }
0x5: {  	_ = 	snop  }
0x6: {  	_ = 	snop  }
0x7: {  	_ = 	snop  }
__scs_overlays_trampoline_lowered:
0x8: {  	[smem:$0x3FAB] =	sst s0  }
0x9: {  	[smem:$0x3FAC] =	sst s1  }
0xa: {  	[smem:$0x3FAD] =	sst s2  }
0xb: {  	[smem:$0x3FAE] =	sst s3  }
0xc: {  	[smem:$0x3FAF] =	sst s4  }
0xd: {  	[smem:$0x3FB0] =	sst s5  }
0xe: {  	[smem:$0x3FB1] =	sst s6  }
0xf: {  	[smem:$0x3FB2] =	sst s7  }
0x10: {  	[smem:$0x3FB3] =	sst s8  }
0x11: {  	[smem:$0x3FB4] =	sst s9;
	s0 =	simm.s32 @!p0 $0x0  }
0x12: {  	s1 =	sld [smem:$0x3F9A];
	s0 =	simm.s32 @p0 $0x1  }
0x13: {  	[smem:$0x3FB5] =	sst s0;
	s0 =	simm.s32 @!p1 $0x0  }
0x14: {  	s2 =	sld [smem:$0x3F99];
	s0 =	simm.s32 @p1 $0x1  }
0x15: {  	[smem:$0x3FB6] =	sst s0;
	s0 =	simm.s32 @!p2 $0x0  }
0x16: {  	s3 =	sld [smem:$0x3FDB];
	s0 =	simm.s32 @p2 $0x1  }
0x17: {  	s4 =	simm.s32 $0x1BF5;
	[smem:$0x3FB8] =	sst s0  }
0x18: {  	s0 =	sld [smem:$0x3F9B];
	_ =	swait.ge [sflag:s4], $0x0  }
0x19: {  	s7 =	sld [smem:$0x3F9C]  }
0x1a: {  	s8 =	sadd.s32 $0xFFFFE003, lr  }
0x1b: {  	s9 =	sadd.s32 $0xFFFFFEF7, lr;
	s5 =	simm.s32 $0xFFFFFFFF;
	p2 =	slt.u32 s8, $0xFFFFF086  }
0x1c: {  	p1 =	slt.u32 s9, $0xF7A;
	s5 =	simm.s32 @!p2 $0x0  }
0x1d: {  	s5 =	simm.s32 @p1 $0x1;
	p0 =	seq.s32 s7, s2  }
0x1e: {  	s7 =	smul.u32 @!p0 $0xF7A, s2;
	p2 =	seq.s32 @!p0 s5, $0x0  }
0x1f: {  	s9 =	smul.u32 $0xF7A, s1;
	s8 =	simm.s32 @!p0 $0x1BF5;
	p2 =	por !p2, p0  }
0x20: {  	[sflag:s8] =	ssyncset.s32 @!p0 $0xFFFFF086;
	s6 =	sadd.s32 @!p0 s3, s7;
	s7 =	simm.s32 @!p0 $0x108  }
0x21: {  	s3 =	sadd.s32 s3, s9;
	s6 =	sadd.s32 @!p0 $0x88, s6;
	s7 =	simm.s32 @p2 $0x1082  }
0x22: {  	[simem:s7], [sflag:s8] =	dma.local @!p0 [hbm:s6], $0xF7A  }
0x23: {  	s9 =	sor.u32 $0xD0000000, s2;
	s6 =	simm.s32 $0x108;
	_ =	swait.ge @!p0 [sflag:s8], $0x0  }
0x24: {  	s3 =	sadd.s32 $0x88, s3;
	s6 =	simm.s32 @!p1 $0x1082;
	[sflag:s4] =	ssyncset.s32 $0xFFFFF086  }
0x25: {  	[simem:s6], [sflag:s4] =	dma.local [hbm:s3], $0xF7A  }
0x26: {  	[smem:$0x3F9C] =	sst s1;
	(tag) =	ssettag s2;
	_ =	strace s9  }
0x27: {  	s1 =	sld [smem:$0x3FAC]  }
0x28: {  	s2 =	sld [smem:$0x3FAD]  }
0x29: {  	s4 =	sld [smem:$0x3FAF]  }
0x2a: {  	p0 =	seq.s32 s5, $0x0;
	s5 =	sld [smem:$0x3FB0]  }
0x2b: {  	s6 =	sld [smem:$0x3FB1]  }
0x2c: {  	s7 =	sld [smem:$0x3FB2]  }
0x2d: {  	s3 =	simm.s32 $0x108;
	s8 =	sld [smem:$0x3FB3]  }
0x2e: {  	s3 =	simm.s32 @!p0 $0x1082;
	s9 =	sld [smem:$0x3FB4]  }
0x2f: {  	lr =	sadd.s32 s0, s3;
	s0 =	sld [smem:$0x3FAB]  }
0x30: {  	s3 =	sld [smem:$0x3FAE]  }
0x31: {  	[smem:$0x3FB7] =	sst s10  }
0x32: {  	s10 =	sld [smem:$0x3FB5];
	_ =	sdelay $0x3  }
0x33: {  	p0 =	seq.s32 s10, $0x1;
	s10 =	sld [smem:$0x3FB7];
	_ =	sdelay $0x3  }
0x34: {  	[smem:$0x3FB7] =	sst s10  }
0x35: {  	s10 =	sld [smem:$0x3FB6];
	_ =	sdelay $0x3  }
0x36: {  	p1 =	seq.s32 s10, $0x1;
	s10 =	sld [smem:$0x3FB7];
	_ =	sdelay $0x3  }
0x37: {  	[smem:$0x3FB7] =	sst s10  }
0x38: {  	s10 =	sld [smem:$0x3FB8]  }
0x39: {  	_ = 	snop;
	(pc) =	sbr.ind lr, $3  }
0x3a: {  	_ = 	snop  }
0x3b: {  	_ = 	snop  }
0x3c: {  	p2 =	seq.s32 s10, $0x1;
	s10 =	sld [smem:$0x3FB7]  }
0x3d: {  	_ =	shalt  }
0x3e: {  	_ =	shalt  }
0x3f: {  	_ =	shalt  }
0x40: {  	_ =	shalt  }
0x41: {  	_ =	shalt  }
0x42: {  	_ =	shalt  }
0x43: {  	_ =	shalt  }
0x44: {  	_ =	shalt  }
0x45: {  	_ =	shalt  }
0x46: {  	_ =	shalt  }
0x47: {  	_ =	shalt  }
0x48: {  	_ =	shalt  }
0x49: {  	_ =	shalt  }
0x4a: {  	_ =	shalt  }
0x4b: {  	_ =	shalt  }
0x4c: {  	_ =	shalt  }
0x4d: {  	_ =	shalt  }
0x4e: {  	_ =	shalt  }
0x4f: {  	_ =	shalt  }
0x50: {  	_ =	shalt  }
0x51: {  	_ =	shalt  }
0x52: {  	_ =	shalt  }
0x53: {  	_ =	shalt  }
0x54: {  	_ =	shalt  }
0x55: {  	_ =	shalt  }
0x56: {  	_ =	shalt  }
0x57: {  	_ =	shalt  }
0x58: {  	_ =	shalt  }
0x59: {  	_ =	shalt  }
0x5a: {  	_ =	shalt  }
0x5b: {  	_ =	shalt  }
0x5c: {  	_ =	shalt  }
0x5d: {  	_ =	shalt  }
0x5e: {  	_ =	shalt  }
0x5f: {  	_ =	shalt  }
0x60: {  	_ =	shalt  }
0x61: {  	_ =	shalt  }
0x62: {  	_ =	shalt  }
0x63: {  	_ =	shalt  }
0x64: {  	_ =	shalt  }
0x65: {  	_ =	shalt  }
0x66: {  	_ =	shalt  }
0x67: {  	_ =	shalt  }
0x68: {  	_ =	shalt  }
0x69: {  	_ =	shalt  }
0x6a: {  	_ =	shalt  }
0x6b: {  	_ =	shalt  }
0x6c: {  	_ =	shalt  }
0x6d: {  	_ =	shalt  }
0x6e: {  	_ =	shalt  }
0x6f: {  	_ =	shalt  }
0x70: {  	_ =	shalt  }
0x71: {  	_ =	shalt  }
0x72: {  	_ =	shalt  }
0x73: {  	_ =	shalt  }
0x74: {  	_ =	shalt  }
0x75: {  	_ =	shalt  }
0x76: {  	_ =	shalt  }
0x77: {  	_ =	shalt  }
0x78: {  	_ =	shalt  }
0x79: {  	_ =	shalt  }
0x7a: {  	_ =	shalt  }
0x7b: {  	_ =	shalt  }
0x7c: {  	_ =	shalt  }
0x7d: {  	_ =	shalt  }
0x7e: {  	_ =	shalt  }
0x7f: {  	_ =	shalt  }
0x80: {  	_ =	shalt  }
0x81: {  	_ =	shalt  }
0x82: {  	_ =	shalt  }
0x83: {  	_ =	shalt  }
0x84: {  	_ =	shalt  }
0x85: {  	_ =	shalt  }
0x86: {  	_ =	shalt  }
0x87: {  	_ =	shalt  }
.Lfunc_end0:
.L_simem_size_0:
called_computation_lowered:
.L_overlay_start_0:
0x88: {  	s2 =	sld [smem:$0x3FD9]  }
0x89: {  	s3 =	sld [smem:$0x3FFE];
	_ =	sdelay $0x1  }
0x8a: {  	s1 =	srdreg.scid  }
0x8b: {  	s0 =	sand.u32 $0x1, s1  }
0x8c: {  	s16 =	sshll.u32 s0, $0xA;
	s2 =	sadd.s32 s3, s2  }
0x8d: {  	s2 =	sadd.s32 s2, s16  }
0x8e: {  	[smem:$0x3FC3] =	sst s2  }
0x8f: {  	_ = 	snop  }
0x90: {  	(tm) =	ssettm $0x1  }
0x91: {  	s17 =	sld [smem:$0x3FFB];
	_ =	sdelay $0x3  }
0x92: {  	_ =	strace s17  }
0x93: {  	s2 =	sld [smem:$0x3FFC];
	_ =	sdelay $0x3  }
0x94: {  	_ =	strace s2  }
0x95: {  	s2 =	sld [smem:$0x3FFD];
	_ =	sdelay $0x3  }
0x96: {  	_ =	strace s2  }
0x97: {  	_ =	strace $0x8FFFFFFF  }
0x98: {  	s18 =	sld [smem:$0x3FDB];
	_ =	sdelay $0x1  }
0x99: {  	s19 =	simm.s32 $_scs_section_size  }
0x9a: {  	s4 =	simm.s32 $_size__tile_overlayer_lowered;
	s5 =	simm.s32 $_tile_overlayer_lowered  }
0x9b: {  	s22 =	simm.s32 $0x1BFF;
	s21 =	sshll.u32 s5, $0x1;
	s2 =	sadd.s32 s19, s18  }
0x9c: {  	s6 =	simm.s32 $0x0;
	s20 =	sshll.u32 s4, $0x1;
	s4 =	sadd.s32 s21, s2  }
0x9d: {  	[timem:s6], [sflag:s22] =	dma.local [hbm:s4], s20  }
0x9e: {  	_ =	swait.ge [sflag:s22], s20  }
0x9f: {  	s3 =	ssub.s32 $0x0, s20;
	[sflag:s22] =	ssyncset.done $0x0  }
0xa0: {  	[sflag:s22] =	ssyncadd.s32 s3;
	_ =	sdelay $0x1  }
0xa1: {  	s23 =	simm.s32 $0x1B8B  }
0xa2: {  	_ =	swait.ge [sflag:s23], $0x1  }
0xa3: {  	[sflag:s23] =	ssyncset.done $0x0  }
0xa4: {  	s25 =	simm.s32 $0x1B8E;
	s24 =	sld [smem:$0x3FFE];
	[sflag:s23] =	ssyncadd.s32 $0xFFFFFFFF  }
0xa5: {  	s26 =	simm.s32 $execute0_lowered;
	[smem:$0x3FD2] =	sst s25  }
0xa6: {  	s4 =	sshll.u32 s26, $0x1;
	_ =	strace $0x80000046;
	[dreg:$0x1] =	wrdreg $0xFFFFFFFF  }
0xa7: {  	s28 =	simm.s32 $_size_execute0_lowered;
	s2 =	sadd.s32 s2, s4;
	[dreg:$0x0] =	wrdreg $0x0  }
0xa8: {  	s4 =	sshll.u32 s28, $0x1;
	[dreg:$0x2] =	wrdreg s2  }
0xa9: {  	[dreg:$0x3] =	wrdreg s4  }
0xaa: {  	[dreg:$0x4] =	wrdreg $0xC0  }
0xab: {  	_ =	task [dreg:s6], $0x5FFFF  }
0xac: {  	[dreg:$0x1] =	wrdreg $0xFFFFFFFF  }
0xad: {  	[dreg:$0x0] =	wrdreg $0x60  }
0xae: {  	[dreg:$0x2] =	wrdreg s24  }
0xaf: {  	[dreg:$0x3] =	wrdreg $0xBE000  }
0xb0: {  	[dreg:$0x4] =	wrdreg $0x9  }
0xb1: {  	_ =	task.clear_ibuf [dreg:s6], $0x5FFFF;
	_ =	strace $0x90000046  }
0xb2: {  	s29 =	simm.s32 $0x9;
	_ =	strace $0x80000048  }
0xb3: {  	_ =	swait.ge [sflag:s29], $0x1  }
0xb4: {  	[sflag:s29] =	ssyncadd.s32 $0xFFFFFFFF  }
0xb5: {  	_ =	strace $0x90000048  }
0xb6: {  	_ =	sfence  }
0xb7: {  	s30 =	sld [smem:$0x0];
	_ =	sdelay $0x2  }
0xb8: {  	s31 =	sshll.u32 s1, $0xD;
	s1 =	sshrl.u32 s1, $0x2  }
0xb9: {  	s3 =	sand.u32 $0x4000, s31;
	s1 =	sadd.s32 s1, s30  }
0xba: {  	s0 =	sor.u32 s3, s0;
	s1 =	sshll.u32 s1, $0x11  }
0xbb: {  	s0 =	sor.u32 s1, s0  }
0xbc: {  	s0 =	sadd.s32 $0x8F2B, s0  }
0xbd: {  	[sflag:s0] =	ssyncadd.remote.s32 $0x1  }
0xbe: {  	_ =	sfence.sel $0xFFFF  }
0xbf: {  	[dreg:$0x0] =	wrdreg $0xFFFFFFFF;
	(pc) =	sbr.abs _section_cstart, $3  }
0xc0: {  	[dreg:$0x1] =	wrdreg $0xFFFFFFFF  }
0xc1: {  	_ =	task.clear_ibuf [dreg:s6], $0x2FFFF;
	_ =	strace $0x9FFFFFFF  }
0xc2: {  	(tm) =	ssettm $0x7FFFFFFF  }
0xc3: {  	_ =	shalt  }
tec
execute0_lowered:
.L_overlay_start_1:
0x0: {  	(tag) =	ssettag $0x1  }
0x1: {  	s0 =	rddreg [dreg:$0x0]  }
0x2: {  	s1 =	rddreg [dreg:$0x1]  }
0x3: {  	s2 =	simm.s32 $0x0;
	s3 =	srdreg.scid;
	s13 =	stileid.u32  }
0x4: {  	s28 =	simm.s32 $0x2900;
	s29 =	simm.s32 $0x1;
	s30 =	simm.s32 $0x2  }
0x5: {  	s31 =	simm.s32 $0x5100;
	[smem:$0x7FF] =	sst s2;
	s4 =	sadd.s32 $0xDC00, s0  }
0x6: {  	s5 =	sadd.s32 $0x3E00, s0;
	s3 =	sand.u32 $0x1, s3;
	s6 =	sadd.s32 $0x17A00, s0  }
0x7: {  	s9 =	smul.u32 $0x50000, s13;
	s7 =	sadd.s32 $0x8EC00, s0;
	s0 =	sadd.s32 $0x3EC00, s0  }
0x8: {  	s12 =	smul.u32 $0x14000, s13;
	_ =	strace $0x80000047;
	s8 =	ssub.s32 $0x2, s3  }
0x9: {  	s11 =	sshll.u32 s3, $0x4;
	s3 =	smul.u32 $0x140000, s3;
	s10 =	sshrl.u32 s8, $0x1  }
0xa: {  	s9 =	sshrl.u32 s9, $0x2;
	s13 =	sor.u32 s13, s11;
	s15 =	sadd.s32 $0x4000, s12  }
0xb: {  	s16 =	sadd.s32 $0x8000, s12;
	s17 =	sadd.s32 $0xC000, s12;
	s18 =	sadd.s32 $0x10000, s12  }
0xc: {  	s14 =	ssub.s32 s8, s10;
	s19 =	sadd.s32 s9, s1;
	s9 =	sadd.s32 s15, s1  }
0xd: {  	s10 =	sadd.s32 s16, s1;
	s11 =	sadd.s32 s17, s1;
	s15 =	sadd.s32 s3, s15  }
0xe: {  	s13 =	smul.u32 $0x2710, s13;
	s22 =	sadd.s32 s3, s16;
	s23 =	sadd.s32 s3, s17  }
0xf: {  	[dreg:$0x3] =	wrdreg s19;
	s19 =	sadd.s32 s12, s3;
	s12 =	sadd.s32 s18, s1  }
0x10: {  	s15 =	sshrl.u32 s15, $0x3;
	s16 =	sshrl.u32 s23, $0x3;
	s3 =	sadd.s32 s3, s18  }
0x11: {  	s26 =	smax.u32 s14, $0x1;
	s23 =	simm.s32 $0x3;
	s19 =	sshrl.u32 s19, $0x3  }
0x12: {  	s21 =	sadd.s32 s0, s15;
	s15 =	sshrl.u32 s22, $0x3;
	[dreg:$0x9] =	wrdreg s26  }
0x13: {  	s25 =	sadd.s32 s0, s16;
	s3 =	sshrl.u32 s3, $0x3;
	[dreg:$0x5] =	wrdreg s21  }
0x14: {  	s22 =	simm.s32 $0x80;
	s20 =	sadd.s32 s0, s19;
	[dreg:$0x7] =	wrdreg s25  }
0x15: {  	s26 =	simm.s32 $0x100;
	s24 =	sadd.s32 s0, s15;
	[dreg:$0x4] =	wrdreg s20  }
0x16: {  	s0 =	sadd.s32 s0, s3;
	s21 =	simm.s32 $0x5;
	[dreg:$0x6] =	wrdreg s24  }
0x17: {  	v0 =	vimm.f32 $0.0e+00;
	vm0 =	vcmask $0x2320;
	s25 =	simm.s32 $0x50;
	s3 =	simm.s32 $0x0;
	[dreg:$0x8] =	wrdreg s0  }
0x18: {  	v1 =	vsel vm0, $0x3F800000, v0;
	vm0 =	vmmov $0xff;
	s20 =	simm.s32 $0x7E00;
	s24 =	simm.s32 $0x4;
	s0 =	simm.s32 $0x5600  }
.LBB2_1:
0x19: {  	s14 =	simm.s32 $0x0;
	s15 =	simm.s32 $0x200  }
.LBB2_2:
0x1a: {  	p0 =	sne.s32 s15, $0xFE00;
	[tilespmem:s14+$0x7E70] =	vst v0  }
0x1b: {  	[tilespmem:s14+$0x7E00] =	vst v0  }
0x1c: {  	[tilespmem:s14+$0x7E10] =	vst v0  }
.Ltmp0:
0x1d: {  	[tilespmem:s14+$0x7E20] =	vst v0;
	(pc) =	sbr.rel @p0 .LBB2_2-.Ltmp0, $4  }
0x1e: {  	[tilespmem:s14+$0x7E30] =	vst v0  }
0x1f: {  	[tilespmem:s14+$0x7E40] =	vst v0  }
0x20: {  	[tilespmem:s14+$0x7E50] =	vst v0  }
0x21: {  	[tilespmem:s14+$0x7E60] =	vst v0;
	s14 =	sshra.s32 s15, $0x2;
	s15 =	sadd.s32 $0x200, s15  }
0x22: {  	[tilespmem:s14+$0x7E70] =	vst v0  }
0x23: {  	[tilespmem:s14+$0x7E00] =	vst v0  }
0x24: {  	[tilespmem:s14+$0x7E10] =	vst v0  }
0x25: {  	[tilespmem:s14+$0x7E20] =	vst v0  }
0x26: {  	[tilespmem:s14+$0x7E30] =	vst v0  }
0x27: {  	[tilespmem:s14+$0x7E40] =	vst v0  }
0x28: {  	[tilespmem:s14+$0x7E50] =	vst v0  }
0x29: {  	[tilespmem:s14+$0x7E60] =	vst v0;
	s8 =	rddreg [dreg:$0x3]  }
0x2a: {  	[spmem:s8] =	stream.linear.scatter [tilespmem:s20], [sflag:$0x5], $0x4000, $0x38;
	[tilespmem:$0x1FE00] =	vst v63  }
0x2b: {  	_ =	swait.ge [sflag:s21], $0x4000  }
0x2c: {  	[sflag:s21] =	ssyncset.done $0x0  }
0x2d: {  	[sflag:s21] =	ssyncadd.s32 $0xFFFFC000  }
0x2e: {  	[spmem:s9] =	stream.linear.scatter [tilespmem:s20], [sflag:$0x5], $0x4000, $0x38;
	[tilespmem:$0x1FE00] =	vst v63  }
0x2f: {  	_ =	swait.ge [sflag:s21], $0x4000  }
0x30: {  	[sflag:s21] =	ssyncset.done $0x0  }
0x31: {  	[sflag:s21] =	ssyncadd.s32 $0xFFFFC000  }
0x32: {  	[spmem:s10] =	stream.linear.scatter [tilespmem:s20], [sflag:$0x5], $0x4000, $0x38;
	[tilespmem:$0x1FE00] =	vst v63  }
0x33: {  	_ =	swait.ge [sflag:s21], $0x4000  }
0x34: {  	[sflag:s21] =	ssyncset.done $0x0  }
0x35: {  	[sflag:s21] =	ssyncadd.s32 $0xFFFFC000  }
0x36: {  	[spmem:s11] =	stream.linear.scatter [tilespmem:s20], [sflag:$0x5], $0x4000, $0x38;
	[tilespmem:$0x1FE00] =	vst v63  }
0x37: {  	_ =	swait.ge [sflag:s21], $0x4000  }
0x38: {  	[sflag:s21] =	ssyncset.done $0x0  }
0x39: {  	[sflag:s21] =	ssyncadd.s32 $0xFFFFC000  }
0x3a: {  	[spmem:s12] =	stream.linear.scatter [tilespmem:s20], [sflag:$0x5], $0x4000, $0x38;
	[tilespmem:$0x1FE00] =	vst v63  }
0x3b: {  	_ =	swait.ge [sflag:s21], $0x4000  }
0x3c: {  	[sflag:s21] =	ssyncset.done $0x0  }
0x3d: {  	s14 =	simm.s32 $0x0;
	s15 =	simm.s32 $0x200;
	[sflag:s21] =	ssyncadd.s32 $0xFFFFC000  }
.LBB2_4:
0x3e: {  	p0 =	sne.s32 s15, $0x9E00;
	[tilespmem:s14+$0x5670] =	vst v0  }
0x3f: {  	[tilespmem:s14+$0x5610] =	vst v0  }
.Ltmp1:
0x40: {  	[tilespmem:s14+$0x5620] =	vst v0;
	(pc) =	sbr.rel @p0 .LBB2_4-.Ltmp1, $4  }
0x41: {  	[tilespmem:s14+$0x5630] =	vst v0  }
0x42: {  	[tilespmem:s14+$0x5640] =	vst v0  }
0x43: {  	[tilespmem:s14+$0x5650] =	vst v0  }
0x44: {  	[tilespmem:s14+$0x5660] =	vst v0;
	s14 =	sshra.s32 s15, $0x2;
	s15 =	sadd.s32 $0x200, s15  }
0x45: {  	[tilespmem:s14+$0x5670] =	vst v0  }
0x46: {  	[tilespmem:s14+$0x5610] =	vst v0  }
0x47: {  	[tilespmem:s14+$0x5620] =	vst v0  }
0x48: {  	[tilespmem:s14+$0x5630] =	vst v0  }
0x49: {  	[tilespmem:s14+$0x5640] =	vst v0  }
0x4a: {  	[tilespmem:s14+$0x5650] =	vst v0  }
0x4b: {  	[tilespmem:s14+$0x5660] =	vst v0  }
0x4c: {  	s14 =	simm.s32 $0x0;
	s15 =	simm.s32 $0x0;
	[bflag:$0x0] =	sbarrier.arrive $0xFFFF  }
.LBB2_6:
0x4d: {  	s16 =	smul.u32 $0x50, s15;
	_ =	sdelay $0x1  }
0x4e: {  	s16 =	sadd.s32 s13, s16  }
0x4f: {  	s17 =	sshrl.u32 s16, $0x3  }
0x50: {  	s18 =	sadd.s32 s5, s17  }
0x51: {  	[tilespmem:s14], [sflag:$0x3] =	stream.linear.gather [hbm4b:s18+s14], $0x50, $0x38;
	[tilespmem:$0x1FE00] =	vst v63  }
0x52: {  	s17 =	sadd.s32 s4, s17  }
0x53: {  	[tilespmem:s22], [sflag:$0x4] =	stream.linear.gather [hbm4b:s17+s14], $0x50, $0x38;
	[tilespmem:$0x1FE00] =	vst v63  }
0x54: {  	_ =	swait.ge [sflag:s23], $0x50  }
0x55: {  	[sflag:s23] =	ssyncset.done $0x0  }
0x56: {  	[sflag:s23] =	ssyncadd.s32 $0xFFFFFFB0  }
0x57: {  	_ =	swait.ge [sflag:s24], $0x50  }
0x58: {  	[sflag:s24] =	ssyncset.done $0x0  }
0x59: {  	[sflag:s24] =	ssyncadd.s32 $0xFFFFFFB0  }
0x5a: {  	[tilespmem:s26], [sflag:$0x1] =	stream.indirect.gather [hbm4b:s6+s25], $0x80, s14, s25, $0xb8;
	[tilespmem:$0x1FE00] =	vst v63  }
0x5b: {  	_ = 	snop  }
0x5c: {  	[tilespmem:s28], [sflag:$0x2] =	stream.indirect.gather [hbm4b:s6+s25], $0x80, s22, s25, $0xb8;
	[tilespmem:$0x1FE00] =	vst v63  }
0x5d: {  	_ =	swait.ge [sflag:s29], $0x2800  }
0x5e: {  	[sflag:s29] =	ssyncset.done $0x0  }
0x5f: {  	[sflag:s29] =	ssyncadd.s32 $0xFFFFD800  }
0x60: {  	_ =	swait.ge [sflag:s30], $0x2800  }
0x61: {  	[sflag:s30] =	ssyncset.done $0x0  }
0x62: {  	s8 =	simm.s32 $0x0;
	[sflag:s30] =	ssyncadd.s32 $0xFFFFD800  }
0x63: {  	v2 =	vld [tilespmem:s8+$0x2910]  }
0x64: {  	v3 =	vld [tilespmem:s8+$0x100];
	_ =	sdelay $0x4  }
0x65: {  	v2 =	vadd.f32 v2, v3;
	_ =	sdelay $0x1  }
0x66: {  	v3 =	vmul.f32 $2.000000030e-01, v2  }
0x67: {  	vm1 =	vgt.f32 v2, $0.0e+00  }
0x68: {  	v2 =	vsel vm1, v2, v3  }
0x69: {  	v2 =	vmul.f32 $1.442695020e+00, v2;
	_ =	sdelay $0x1  }
0x6a: {  	(erf) = vpow2.f32 v2;
	_ =	sdelay $0x8  }
0x6b: {  	v2 =	vpop (erf)  }
0x6c: {  	s18 =	simm.s32 $0x5100;
	v3 =	vsel vm0, v2, v1  }
0x6d: {  	s17 =	simm.s32 $0x80;
	[tilespmem:s18+$0x0] =	vst v3  }
0x6e: {  	s19 =	simm.s32 $0x400;
	v2 =	vld [tilespmem:s17+$0x2910];
	[tilespmem:s8+$0x5600] =	vst v3  }
.LBB2_7:
0x6f: {  	p0 =	sne.s32 s19, $0x9E00;
	v3 =	vld [tilespmem:s17+$0x100];
	_ =	sdelay $0x4  }
0x70: {  	v2 =	vadd.f32 v2, v3;
	_ =	sdelay $0x1  }
0x71: {  	v3 =	vmul.f32 $2.000000030e-01, v2  }
0x72: {  	vm1 =	vgt.f32 v2, $0.0e+00  }
0x73: {  	v2 =	vsel vm1, v2, v3  }
0x74: {  	v2 =	vmul.f32 $1.442695020e+00, v2;
	_ =	sdelay $0x1  }
0x75: {  	(erf) = vpow2.f32 v2;
	_ =	sdelay $0x7  }
.Ltmp2:
0x76: {  	(pc) =	sbr.rel @p0 .LBB2_7-.Ltmp2, $4  }
0x77: {  	v2 =	vpop (erf)  }
0x78: {  	s18 =	sadd.s32 $0x10, s18;
	v3 =	vsel vm0, v2, v1  }
0x79: {  	s8 =	sshra.s32 s19, $0x2;
	[tilespmem:s18+$0x0] =	vst v3  }
0x7a: {  	s19 =	sadd.s32 $0x200, s19;
	v2 =	vld [tilespmem:s8+$0x2910];
	[tilespmem:s17+$0x5600] =	vst v3;
	s17 =	smov.u32 s8  }
0x7b: {  	v3 =	vld [tilespmem:s17+$0x100];
	_ =	sdelay $0x4  }
0x7c: {  	v2 =	vadd.f32 v2, v3;
	_ =	sdelay $0x1  }
0x7d: {  	v3 =	vmul.f32 $2.000000030e-01, v2  }
0x7e: {  	vm1 =	vgt.f32 v2, $0.0e+00  }
0x7f: {  	v2 =	vsel vm1, v2, v3  }
0x80: {  	v2 =	vmul.f32 $1.442695020e+00, v2;
	_ =	sdelay $0x1  }
0x81: {  	(erf) = vpow2.f32 v2;
	_ =	sdelay $0x8  }
0x82: {  	v2 =	vpop (erf)  }
0x83: {  	s8 =	sadd.s32 $0x10, s18;
	v2 =	vsel vm0, v2, v1  }
0x84: {  	s19 =	sshll.u32 s16, $0x1;
	[tilespmem:s8+$0x0] =	vst v2  }
0x85: {  	s8 =	sadd.s32 s7, s19;
	[tilespmem:s17+$0x5600] =	vst v2  }
0x86: {  	[hbm4b:s8+s2] =	stream.linear.scatter [tilespmem:s31], [sflag:$0x3], $0x500, $0x38;
	[tilespmem:$0x1FE00] =	vst v63  }
0x87: {  	s15 =	sadd.s32 $0x1, s15  }
0x88: {  	[spmem:s1] =	stream.indirect.scatter.add.f32 [tilespmem:s0], [sflag:$0x4], $0x80, s2, s25, $0xb8;
	[tilespmem:$0x1FE00] =	vst v63  }
0x89: {  	p0 =	sne.s32 s15, $0x7D;
	_ =	swait.ge [sflag:s23], $0x500  }
.Ltmp3:
0x8a: {  	[sflag:s23] =	ssyncset.done $0x0;
	(pc) =	sbr.rel @p0 .LBB2_6-.Ltmp3, $4  }
0x8b: {  	[sflag:s23] =	ssyncadd.s32 $0xFFFFFB00  }
0x8c: {  	_ =	swait.ge [sflag:s24], $0x2800  }
0x8d: {  	[sflag:s24] =	ssyncset.done $0x0  }
0x8e: {  	[sflag:s24] =	ssyncadd.s32 $0xFFFFD800  }
0x8f: {  	s8 =	stileid.u32;
	[bflag:$0x0] =	sbarrier.arrive $0xFFFF  }
0x90: {  	s8 =	sshll.u32 s8, $0x6;
	s14 =	rddreg [dreg:$0x3]  }
0x91: {  	s15 =	rddreg [dreg:$0x4];
	s8 =	sor.u32 $0x1C05, s8;
	s14 =	sshrl.u32 s14, $0x3  }
0x92: {  	[hbm:s15], [sflag:s8] =	dma.local [spmem:s14], $0x800  }
0x93: {  	_ =	swait.ge [sflag:s21], $0x800  }
0x94: {  	[sflag:s21] =	ssyncset.done $0x0  }
0x95: {  	s16 =	sshrl.u32 s9, $0x3;
	s17 =	rddreg [dreg:$0x5];
	[sflag:s21] =	ssyncadd.s32 $0xFFFFF800  }
0x96: {  	[hbm:s17], [sflag:s8] =	dma.local [spmem:s16], $0x800  }
0x97: {  	_ =	swait.ge [sflag:s21], $0x800  }
0x98: {  	[sflag:s21] =	ssyncset.done $0x0  }
0x99: {  	s18 =	sshrl.u32 s10, $0x3;
	s19 =	rddreg [dreg:$0x6];
	[sflag:s21] =	ssyncadd.s32 $0xFFFFF800  }
0x9a: {  	[hbm:s19], [sflag:s8] =	dma.local [spmem:s18], $0x800  }
0x9b: {  	_ =	swait.ge [sflag:s21], $0x800  }
0x9c: {  	[sflag:s21] =	ssyncset.done $0x0  }
0x9d: {  	s15 =	sshrl.u32 s11, $0x3;
	s16 =	rddreg [dreg:$0x7];
	[sflag:s21] =	ssyncadd.s32 $0xFFFFF800  }
0x9e: {  	[hbm:s16], [sflag:s8] =	dma.local [spmem:s15], $0x800  }
0x9f: {  	_ =	swait.ge [sflag:s21], $0x800  }
0xa0: {  	[sflag:s21] =	ssyncset.done $0x0  }
0xa1: {  	s17 =	sshrl.u32 s12, $0x3;
	s18 =	rddreg [dreg:$0x8];
	[sflag:s21] =	ssyncadd.s32 $0xFFFFF800  }
0xa2: {  	[hbm:s18], [sflag:s8] =	dma.local [spmem:s17], $0x800  }
0xa3: {  	_ =	swait.ge [sflag:s21], $0x800  }
0xa4: {  	s3 =	sadd.s32 $0x1, s3;
	s19 =	rddreg [dreg:$0x9]  }
0xa5: {  	p0 =	sne.s32 s3, s19  }
.Ltmp4:
0xa6: {  	_ = 	snop;
	(pc) =	sbr.rel @p0 .LBB2_1-.Ltmp4, $3  }
0xa7: {  	_ =	sdelay $0x1  }
0xa8: {  	[sflag:s21] =	ssyncset.done $0x0  }
0xa9: {  	[sflag:s21] =	ssyncadd.s32 $0xFFFFF800  }
0xaa: {  	_ =	sfence.sel $0x180000  }
0xab: {  	[bflag:$0x0] =	sbarrier.arrive $0xFFFF  }
0xac: {  	_ =	strace $0x90000047  }
0xad: {  	s0 =	stileid.u32;
	[bflag:$0x2] =	sbarrier.arrive $0xFFFF  }
0xae: {  	p0 =	sne.s32 s0, $0x0;
	s0 =	rddreg [dreg:$0x2]  }
0xaf: {  	s0 =	sadd.s32 @!p0 $0x100000, s0  }
0xb0: {  	[sflag:s0] =	ssyncadd.tile.s32 @!p0 $0x1;
	_ =	shalt  }
.Lfunc_end2:
_tile_overlayer_lowered:
.L_overlay_start_2:
0xb1: {  	(tag) =	ssettag $0x2  }
0xb2: {  	s0 =	rddreg [dreg:$0x0];
	s2 =	stileid.u32  }
0xb3: {  	s1 =	rddreg [dreg:$0x1];
	p0 =	sne.s32 s2, $0x0  }
0xb4: {  	s3 =	rddreg [dreg:$0x2];
	[bflag:$0x3] =	sbarrier.arrive $0xFFFF;
	s2 =	simm.s32 @!p0 $0x1C05  }
0xb5: {  	[timem:s3], [sflag:s2] =	dma.local @!p0 [hbm:s0], s1  }
0xb6: {  	s0 =	simm.s32 @!p0 $0x5  }
0xb7: {  	_ =	swait.ge @!p0 [sflag:s0], s1  }
0xb8: {  	s1 =	ssub.s32 @!p0 $0x0, s1;
	[sflag:s0] =	ssyncset.done @!p0 $0x0  }
0xb9: {  	[sflag:s0] =	ssyncadd.s32 @!p0 s1  }
0xba: {  	[bflag:$0x3] =	sbarrier.arrive $0xFFFF  }
0xbb: {  	_ =	shalt  }

// kernel: kernel.9.cloned.1.call-start
scs
__scs_entry_jumppad:
0x0: {  	(pc) =	sbr.rel $0x88, $3  }
0x1: {  	(tag) =	ssettag $0x0;
	lr =	simm.s32 $0x1  }
0x2: {  	[smem:$0x3F9C] =	sst lr;
	_ =	strace $0xD0000000  }
0x3: {  	_ = 	snop  }
0x4: {  	_ = 	snop  }
0x5: {  	_ = 	snop  }
0x6: {  	_ = 	snop  }
0x7: {  	_ = 	snop  }
__scs_overlays_trampoline_lowered:
0x8: {  	[smem:$0x3FAB] =	sst s0  }
0x9: {  	[smem:$0x3FAC] =	sst s1  }
0xa: {  	[smem:$0x3FAD] =	sst s2  }
0xb: {  	[smem:$0x3FAE] =	sst s3  }
0xc: {  	[smem:$0x3FAF] =	sst s4  }
0xd: {  	[smem:$0x3FB0] =	sst s5  }
0xe: {  	[smem:$0x3FB1] =	sst s6  }
0xf: {  	[smem:$0x3FB2] =	sst s7  }
0x10: {  	[smem:$0x3FB3] =	sst s8  }
0x11: {  	[smem:$0x3FB4] =	sst s9;
	s0 =	simm.s32 @!p0 $0x0  }
0x12: {  	s1 =	sld [smem:$0x3F9A];
	s0 =	simm.s32 @p0 $0x1  }
0x13: {  	[smem:$0x3FB5] =	sst s0;
	s0 =	simm.s32 @!p1 $0x0  }
0x14: {  	s2 =	sld [smem:$0x3F99];
	s0 =	simm.s32 @p1 $0x1  }
0x15: {  	[smem:$0x3FB6] =	sst s0;
	s0 =	simm.s32 @!p2 $0x0  }
0x16: {  	s3 =	sld [smem:$0x3FDB];
	s0 =	simm.s32 @p2 $0x1  }
0x17: {  	s4 =	simm.s32 $0x1BF5;
	[smem:$0x3FB8] =	sst s0  }
0x18: {  	s0 =	sld [smem:$0x3F9B];
	_ =	swait.ge [sflag:s4], $0x0  }
0x19: {  	s7 =	sld [smem:$0x3F9C]  }
0x1a: {  	s8 =	sadd.s32 $0xFFFFE003, lr  }
0x1b: {  	s9 =	sadd.s32 $0xFFFFFEF7, lr;
	s5 =	simm.s32 $0xFFFFFFFF;
	p2 =	slt.u32 s8, $0xFFFFF086  }
0x1c: {  	p1 =	slt.u32 s9, $0xF7A;
	s5 =	simm.s32 @!p2 $0x0  }
0x1d: {  	s5 =	simm.s32 @p1 $0x1;
	p0 =	seq.s32 s7, s2  }
0x1e: {  	s7 =	smul.u32 @!p0 $0xF7A, s2;
	p2 =	seq.s32 @!p0 s5, $0x0  }
0x1f: {  	s9 =	smul.u32 $0xF7A, s1;
	s8 =	simm.s32 @!p0 $0x1BF5;
	p2 =	por !p2, p0  }
0x20: {  	[sflag:s8] =	ssyncset.s32 @!p0 $0xFFFFF086;
	s6 =	sadd.s32 @!p0 s3, s7;
	s7 =	simm.s32 @!p0 $0x108  }
0x21: {  	s3 =	sadd.s32 s3, s9;
	s6 =	sadd.s32 @!p0 $0x88, s6;
	s7 =	simm.s32 @p2 $0x1082  }
0x22: {  	[simem:s7], [sflag:s8] =	dma.local @!p0 [hbm:s6], $0xF7A  }
0x23: {  	s9 =	sor.u32 $0xD0000000, s2;
	s6 =	simm.s32 $0x108;
	_ =	swait.ge @!p0 [sflag:s8], $0x0  }
0x24: {  	s3 =	sadd.s32 $0x88, s3;
	s6 =	simm.s32 @!p1 $0x1082;
	[sflag:s4] =	ssyncset.s32 $0xFFFFF086  }
0x25: {  	[simem:s6], [sflag:s4] =	dma.local [hbm:s3], $0xF7A  }
0x26: {  	[smem:$0x3F9C] =	sst s1;
	(tag) =	ssettag s2;
	_ =	strace s9  }
0x27: {  	s1 =	sld [smem:$0x3FAC]  }
0x28: {  	s2 =	sld [smem:$0x3FAD]  }
0x29: {  	s4 =	sld [smem:$0x3FAF]  }
0x2a: {  	p0 =	seq.s32 s5, $0x0;
	s5 =	sld [smem:$0x3FB0]  }
0x2b: {  	s6 =	sld [smem:$0x3FB1]  }
0x2c: {  	s7 =	sld [smem:$0x3FB2]  }
0x2d: {  	s3 =	simm.s32 $0x108;
	s8 =	sld [smem:$0x3FB3]  }
0x2e: {  	s3 =	simm.s32 @!p0 $0x1082;
	s9 =	sld [smem:$0x3FB4]  }
0x2f: {  	lr =	sadd.s32 s0, s3;
	s0 =	sld [smem:$0x3FAB]  }
0x30: {  	s3 =	sld [smem:$0x3FAE]  }
0x31: {  	[smem:$0x3FB7] =	sst s10  }
0x32: {  	s10 =	sld [smem:$0x3FB5];
	_ =	sdelay $0x3  }
0x33: {  	p0 =	seq.s32 s10, $0x1;
	s10 =	sld [smem:$0x3FB7];
	_ =	sdelay $0x3  }
0x34: {  	[smem:$0x3FB7] =	sst s10  }
0x35: {  	s10 =	sld [smem:$0x3FB6];
	_ =	sdelay $0x3  }
0x36: {  	p1 =	seq.s32 s10, $0x1;
	s10 =	sld [smem:$0x3FB7];
	_ =	sdelay $0x3  }
0x37: {  	[smem:$0x3FB7] =	sst s10  }
0x38: {  	s10 =	sld [smem:$0x3FB8]  }
0x39: {  	_ = 	snop;
	(pc) =	sbr.ind lr, $3  }
0x3a: {  	_ = 	snop  }
0x3b: {  	_ = 	snop  }
0x3c: {  	p2 =	seq.s32 s10, $0x1;
	s10 =	sld [smem:$0x3FB7]  }
0x3d: {  	_ =	shalt  }
0x3e: {  	_ =	shalt  }
0x3f: {  	_ =	shalt  }
0x40: {  	_ =	shalt  }
0x41: {  	_ =	shalt  }
0x42: {  	_ =	shalt  }
0x43: {  	_ =	shalt  }
0x44: {  	_ =	shalt  }
0x45: {  	_ =	shalt  }
0x46: {  	_ =	shalt  }
0x47: {  	_ =	shalt  }
0x48: {  	_ =	shalt  }
0x49: {  	_ =	shalt  }
0x4a: {  	_ =	shalt  }
0x4b: {  	_ =	shalt  }
0x4c: {  	_ =	shalt  }
0x4d: {  	_ =	shalt  }
0x4e: {  	_ =	shalt  }
0x4f: {  	_ =	shalt  }
0x50: {  	_ =	shalt  }
0x51: {  	_ =	shalt  }
0x52: {  	_ =	shalt  }
0x53: {  	_ =	shalt  }
0x54: {  	_ =	shalt  }
0x55: {  	_ =	shalt  }
0x56: {  	_ =	shalt  }
0x57: {  	_ =	shalt  }
0x58: {  	_ =	shalt  }
0x59: {  	_ =	shalt  }
0x5a: {  	_ =	shalt  }
0x5b: {  	_ =	shalt  }
0x5c: {  	_ =	shalt  }
0x5d: {  	_ =	shalt  }
0x5e: {  	_ =	shalt  }
0x5f: {  	_ =	shalt  }
0x60: {  	_ =	shalt  }
0x61: {  	_ =	shalt  }
0x62: {  	_ =	shalt  }
0x63: {  	_ =	shalt  }
0x64: {  	_ =	shalt  }
0x65: {  	_ =	shalt  }
0x66: {  	_ =	shalt  }
0x67: {  	_ =	shalt  }
0x68: {  	_ =	shalt  }
0x69: {  	_ =	shalt  }
0x6a: {  	_ =	shalt  }
0x6b: {  	_ =	shalt  }
0x6c: {  	_ =	shalt  }
0x6d: {  	_ =	shalt  }
0x6e: {  	_ =	shalt  }
0x6f: {  	_ =	shalt  }
0x70: {  	_ =	shalt  }
0x71: {  	_ =	shalt  }
0x72: {  	_ =	shalt  }
0x73: {  	_ =	shalt  }
0x74: {  	_ =	shalt  }
0x75: {  	_ =	shalt  }
0x76: {  	_ =	shalt  }
0x77: {  	_ =	shalt  }
0x78: {  	_ =	shalt  }
0x79: {  	_ =	shalt  }
0x7a: {  	_ =	shalt  }
0x7b: {  	_ =	shalt  }
0x7c: {  	_ =	shalt  }
0x7d: {  	_ =	shalt  }
0x7e: {  	_ =	shalt  }
0x7f: {  	_ =	shalt  }
0x80: {  	_ =	shalt  }
0x81: {  	_ =	shalt  }
0x82: {  	_ =	shalt  }
0x83: {  	_ =	shalt  }
0x84: {  	_ =	shalt  }
0x85: {  	_ =	shalt  }
0x86: {  	_ =	shalt  }
0x87: {  	_ =	shalt  }
.Lfunc_end0:
.L_simem_size_0:
called_computation.1_lowered:
.L_overlay_start_0:
0x88: {  	s2 =	sld [smem:$0x3FD9]  }
0x89: {  	s3 =	sld [smem:$0x3FFE];
	_ =	sdelay $0x1  }
0x8a: {  	s1 =	srdreg.scid  }
0x8b: {  	s0 =	sand.u32 $0x1, s1  }
0x8c: {  	s17 =	sshll.u32 s0, $0xA;
	s2 =	sadd.s32 s3, s2  }
0x8d: {  	s2 =	sadd.s32 s2, s17  }
0x8e: {  	[smem:$0x3FC3] =	sst s2  }
0x8f: {  	_ = 	snop  }
0x90: {  	s2 =	sld [smem:$0x3FD0];
	(tm) =	ssettm $0x1  }
0x91: {  	s18 =	sld [smem:$0x3FFB];
	_ =	sdelay $0x3  }
0x92: {  	_ =	strace s18  }
0x93: {  	s3 =	sld [smem:$0x3FFC];
	_ =	sdelay $0x3  }
0x94: {  	_ =	strace s3  }
0x95: {  	s3 =	sld [smem:$0x3FFD];
	_ =	sdelay $0x3  }
0x96: {  	_ =	strace s3  }
0x97: {  	_ =	strace $0x8FFFFFFF  }
0x98: {  	s19 =	sld [smem:$0x3FDB];
	_ =	sdelay $0x1  }
0x99: {  	s4 =	simm.s32 $_scs_section_size  }
0x9a: {  	s5 =	simm.s32 $_size__tile_overlayer_lowered;
	s6 =	simm.s32 $_tile_overlayer_lowered  }
0x9b: {  	s22 =	simm.s32 $0x1BFF;
	s21 =	sshll.u32 s6, $0x1;
	s3 =	sadd.s32 s4, s19  }
0x9c: {  	s7 =	simm.s32 $0x0;
	s20 =	sshll.u32 s5, $0x1;
	s5 =	sadd.s32 s21, s3  }
0x9d: {  	[timem:s7], [sflag:s22] =	dma.local [hbm:s5], s20  }
0x9e: {  	_ =	swait.ge [sflag:s22], s20  }
0x9f: {  	s4 =	ssub.s32 $0x0, s20;
	[sflag:s22] =	ssyncset.done $0x0  }
0xa0: {  	[sflag:s22] =	ssyncadd.s32 s4;
	_ =	sdelay $0x1  }
0xa1: {  	s23 =	simm.s32 $0x1B8B  }
0xa2: {  	_ =	swait.ge [sflag:s23], $0x1  }
0xa3: {  	[sflag:s23] =	ssyncset.done $0x0  }
0xa4: {  	s25 =	simm.s32 $0x1B8E;
	s24 =	sld [smem:$0x3FFE];
	[sflag:s23] =	ssyncadd.s32 $0xFFFFFFFF  }
0xa5: {  	s26 =	simm.s32 $execute0_lowered;
	[smem:$0x3FD2] =	sst s25  }
0xa6: {  	s5 =	sshll.u32 s26, $0x1;
	_ =	strace $0x80000049;
	[dreg:$0x1] =	wrdreg $0xFFFFFFFF  }
0xa7: {  	s28 =	simm.s32 $_size_execute0_lowered;
	s3 =	sadd.s32 s3, s5;
	[dreg:$0x0] =	wrdreg $0x0  }
0xa8: {  	s5 =	sshll.u32 s28, $0x1;
	[dreg:$0x2] =	wrdreg s3  }
0xa9: {  	[dreg:$0x3] =	wrdreg s5  }
0xaa: {  	[dreg:$0x4] =	wrdreg $0xC0  }
0xab: {  	_ =	task [dreg:s7], $0x5FFFF  }
0xac: {  	[dreg:$0x1] =	wrdreg $0xFFFFFFFF  }
0xad: {  	[dreg:$0x0] =	wrdreg $0x60  }
0xae: {  	[dreg:$0x2] =	wrdreg s24  }
0xaf: {  	[dreg:$0x3] =	wrdreg s2  }
0xb0: {  	[dreg:$0x4] =	wrdreg $0x6E000  }
0xb1: {  	[dreg:$0x5] =	wrdreg $0x9  }
0xb2: {  	_ =	task.clear_ibuf [dreg:s7], $0x6FFFF;
	_ =	strace $0x90000049  }
0xb3: {  	s29 =	simm.s32 $0x9;
	_ =	strace $0x8000004B  }
0xb4: {  	_ =	swait.ge [sflag:s29], $0x1  }
0xb5: {  	[sflag:s29] =	ssyncadd.s32 $0xFFFFFFFF  }
0xb6: {  	_ =	strace $0x9000004B  }
0xb7: {  	_ =	sfence  }
0xb8: {  	s30 =	sld [smem:$0x0];
	_ =	sdelay $0x2  }
0xb9: {  	s31 =	sshll.u32 s1, $0xD;
	s1 =	sshrl.u32 s1, $0x2  }
0xba: {  	s3 =	sand.u32 $0x4000, s31;
	s1 =	sadd.s32 s1, s30  }
0xbb: {  	s0 =	sor.u32 s3, s0;
	s1 =	sshll.u32 s1, $0x11  }
0xbc: {  	s0 =	sor.u32 s1, s0  }
0xbd: {  	s0 =	sadd.s32 $0x8F2B, s0  }
0xbe: {  	[sflag:s0] =	ssyncadd.remote.s32 $0x1  }
0xbf: {  	_ =	sfence.sel $0xFFFF  }
0xc0: {  	[dreg:$0x0] =	wrdreg $0xFFFFFFFF;
	(pc) =	sbr.abs _section_cstart, $3  }
0xc1: {  	[dreg:$0x1] =	wrdreg $0xFFFFFFFF  }
0xc2: {  	_ =	task.clear_ibuf [dreg:s7], $0x2FFFF;
	_ =	strace $0x9FFFFFFF  }
0xc3: {  	(tm) =	ssettm $0x7FFFFFFF  }
tec
execute0_lowered:
.L_overlay_start_1:
0x0: {  	(tag) =	ssettag $0x1  }
0x1: {  	s0 =	rddreg [dreg:$0x0]  }
0x2: {  	s1 =	rddreg [dreg:$0x1]  }
0x3: {  	s2 =	rddreg [dreg:$0x2]  }
0x4: {  	s3 =	simm.s32 $0x0;
	s4 =	srdreg.scid;
	s11 =	stileid.u32  }
0x5: {  	s20 =	simm.s32 $0x2E00;
	s21 =	simm.s32 $0x5;
	s22 =	simm.s32 $0x80  }
0x6: {  	s28 =	simm.s32 $0x2;
	s29 =	simm.s32 $0x4;
	s30 =	simm.s32 $0x1  }
0x7: {  	s31 =	simm.s32 $0x0;
	[smem:$0x7FF] =	sst s3;
	s5 =	sadd.s32 $0xDC00, s0  }
0x8: {  	s6 =	sadd.s32 $0x3E00, s0;
	s4 =	sand.u32 $0x1, s4;
	s9 =	smul.u32 $0x50000, s11  }
0x9: {  	s7 =	sadd.s32 $0x8EC00, s0;
	s0 =	sadd.s32 $0x12B000, s0;
	s12 =	smul.u32 $0x14000, s11  }
0xa: {  	_ =	strace $0x8000004A;
	s8 =	ssub.s32 $0x2, s4;
	s23 =	sshll.u32 s4, $0x4  }
0xb: {  	s4 =	smul.u32 $0x140000, s4;
	s10 =	sshrl.u32 s8, $0x1;
	s9 =	sshrl.u32 s9, $0x2  }
0xc: {  	s13 =	sor.u32 s11, s23;
	s15 =	sadd.s32 $0x4000, s12;
	s16 =	sadd.s32 $0x8000, s12  }
0xd: {  	s17 =	sadd.s32 $0xC000, s12;
	s18 =	sadd.s32 $0x10000, s12;
	s23 =	simm.s32 $0x3  }
0xe: {  	s14 =	ssub.s32 s8, s10;
	s8 =	sadd.s32 s9, s2;
	s9 =	sadd.s32 s15, s2  }
0xf: {  	s10 =	sadd.s32 s16, s2;
	s11 =	sadd.s32 s17, s2;
	s19 =	sadd.s32 s12, s4  }
0x10: {  	s15 =	sadd.s32 s4, s15;
	s12 =	sadd.s32 s18, s2;
	s13 =	smul.u32 $0x2710, s13  }
0x11: {  	s24 =	sadd.s32 s4, s16;
	s25 =	sadd.s32 s4, s17;
	s4 =	sadd.s32 s4, s18  }
0x12: {  	s19 =	sshrl.u32 s19, $0x3;
	s15 =	sshrl.u32 s15, $0x3;
	s16 =	sshrl.u32 s25, $0x3  }
0x13: {  	s4 =	sshrl.u32 s4, $0x3;
	s25 =	simm.s32 $0x100;
	s19 =	sadd.s32 s0, s19  }
0x14: {  	s15 =	sadd.s32 s0, s15;
	s26 =	sadd.s32 s0, s16;
	[dreg:$0x4] =	wrdreg s19  }
0x15: {  	s18 =	sadd.s32 s0, s4;
	[dreg:$0x5] =	wrdreg s15;
	s15 =	sshrl.u32 s24, $0x3  }
0x16: {  	[dreg:$0x7] =	wrdreg s26;
	s19 =	smax.u32 s14, $0x1;
	s15 =	sadd.s32 s0, s15  }
0x17: {  	v0 =	vimm.f32 $0.0e+00;
	s24 =	simm.s32 $0x50;
	s26 =	simm.s32 $0x2900;
	[dreg:$0x6] =	wrdreg s15  }
.LBB2_1:
0x18: {  	s0 =	simm.s32 $0x0;
	s4 =	simm.s32 $0x200  }
.LBB2_2:
0x19: {  	p0 =	sne.s32 s4, $0xFE00;
	[tilespmem:s0+$0x2E70] =	vst v0  }
0x1a: {  	[tilespmem:s0+$0x2E00] =	vst v0  }
0x1b: {  	[tilespmem:s0+$0x2E10] =	vst v0  }
.Ltmp0:
0x1c: {  	[tilespmem:s0+$0x2E20] =	vst v0;
	(pc) =	sbr.rel @p0 .LBB2_2-.Ltmp0, $4  }
0x1d: {  	[tilespmem:s0+$0x2E30] =	vst v0  }
0x1e: {  	[tilespmem:s0+$0x2E40] =	vst v0  }
0x1f: {  	[tilespmem:s0+$0x2E50] =	vst v0  }
0x20: {  	[tilespmem:s0+$0x2E60] =	vst v0;
	s0 =	sshra.s32 s4, $0x2;
	s4 =	sadd.s32 $0x200, s4  }
0x21: {  	[tilespmem:s0+$0x2E70] =	vst v0  }
0x22: {  	[tilespmem:s0+$0x2E00] =	vst v0  }
0x23: {  	[tilespmem:s0+$0x2E10] =	vst v0  }
0x24: {  	[tilespmem:s0+$0x2E20] =	vst v0  }
0x25: {  	[tilespmem:s0+$0x2E30] =	vst v0  }
0x26: {  	[tilespmem:s0+$0x2E40] =	vst v0  }
0x27: {  	[tilespmem:s0+$0x2E50] =	vst v0  }
0x28: {  	[tilespmem:s0+$0x2E60] =	vst v0  }
0x29: {  	[spmem:s8] =	stream.linear.scatter [tilespmem:s20], [sflag:$0x5], $0x4000, $0x38;
	[tilespmem:$0x1AE00] =	vst v63  }
0x2a: {  	_ =	swait.ge [sflag:s21], $0x4000  }
0x2b: {  	[sflag:s21] =	ssyncset.done $0x0  }
0x2c: {  	[sflag:s21] =	ssyncadd.s32 $0xFFFFC000  }
0x2d: {  	[spmem:s9] =	stream.linear.scatter [tilespmem:s20], [sflag:$0x5], $0x4000, $0x38;
	[tilespmem:$0x1AE00] =	vst v63  }
0x2e: {  	_ =	swait.ge [sflag:s21], $0x4000  }
0x2f: {  	[sflag:s21] =	ssyncset.done $0x0  }
0x30: {  	[sflag:s21] =	ssyncadd.s32 $0xFFFFC000  }
0x31: {  	[spmem:s10] =	stream.linear.scatter [tilespmem:s20], [sflag:$0x5], $0x4000, $0x38;
	[tilespmem:$0x1AE00] =	vst v63  }
0x32: {  	_ =	swait.ge [sflag:s21], $0x4000  }
0x33: {  	[sflag:s21] =	ssyncset.done $0x0  }
0x34: {  	[sflag:s21] =	ssyncadd.s32 $0xFFFFC000  }
0x35: {  	[spmem:s11] =	stream.linear.scatter [tilespmem:s20], [sflag:$0x5], $0x4000, $0x38;
	[tilespmem:$0x1AE00] =	vst v63  }
0x36: {  	_ =	swait.ge [sflag:s21], $0x4000  }
0x37: {  	[sflag:s21] =	ssyncset.done $0x0  }
0x38: {  	[sflag:s21] =	ssyncadd.s32 $0xFFFFC000  }
0x39: {  	[spmem:s12] =	stream.linear.scatter [tilespmem:s20], [sflag:$0x5], $0x4000, $0x38;
	[tilespmem:$0x1AE00] =	vst v63  }
0x3a: {  	_ =	swait.ge [sflag:s21], $0x4000  }
0x3b: {  	[sflag:s21] =	ssyncset.done $0x0  }
0x3c: {  	[sflag:s21] =	ssyncadd.s32 $0xFFFFC000  }
0x3d: {  	s0 =	simm.s32 $0x0;
	s4 =	simm.s32 $0x0;
	[bflag:$0x0] =	sbarrier.arrive $0xFFFF  }
.LBB2_4:
0x3e: {  	s14 =	smul.u32 $0x50, s4;
	_ =	sdelay $0x1  }
0x3f: {  	s14 =	sadd.s32 s13, s14  }
0x40: {  	s15 =	sshrl.u32 s14, $0x3  }
0x41: {  	s16 =	sadd.s32 s6, s15  }
0x42: {  	[tilespmem:s0], [sflag:$0x2] =	stream.linear.gather [hbm4b:s16+s0], $0x50, $0x38;
	[tilespmem:$0x1AE00] =	vst v63  }
0x43: {  	s15 =	sadd.s32 s5, s15  }
0x44: {  	[tilespmem:s22], [sflag:$0x3] =	stream.linear.gather [hbm4b:s15+s0], $0x50, $0x38;
	[tilespmem:$0x1AE00] =	vst v63  }
0x45: {  	_ =	swait.ge [sflag:s23], $0x50  }
0x46: {  	[sflag:s23] =	ssyncset.done $0x0  }
0x47: {  	s14 =	sshll.u32 s14, $0x1;
	[sflag:s23] =	ssyncadd.s32 $0xFFFFFFB0  }
0x48: {  	[tilespmem:s25], [sflag:$0x1] =	stream.indirect.gather [hbm4b:s1+s24], $0x80, s22, s24, $0xb8;
	[tilespmem:$0x1AE00] =	vst v63  }
0x49: {  	s14 =	sadd.s32 s7, s14  }
0x4a: {  	[tilespmem:s26], [sflag:$0x4] =	stream.linear.gather [hbm4b:s14+s0], $0x500, $0x38;
	[tilespmem:$0x1AE00] =	vst v63  }
0x4b: {  	_ =	swait.ge [sflag:s28], $0x50  }
0x4c: {  	[sflag:s28] =	ssyncset.done $0x0  }
0x4d: {  	[sflag:s28] =	ssyncadd.s32 $0xFFFFFFB0  }
0x4e: {  	_ =	swait.ge [sflag:s29], $0x500  }
0x4f: {  	[sflag:s29] =	ssyncset.done $0x0  }
0x50: {  	[sflag:s29] =	ssyncadd.s32 $0xFFFFFB00  }
0x51: {  	_ =	swait.ge [sflag:s30], $0x2800  }
0x52: {  	[sflag:s30] =	ssyncset.done $0x0  }
0x53: {  	s14 =	simm.s32 $0x140;
	[sflag:s30] =	ssyncadd.s32 $0xFFFFD800  }
0x54: {  	s17 =	simm.s32 $0x0;
	s16 =	simm.s32 $0x40;
	s15 =	simm.s32 $0x140;
	v1 =	vld [tilespmem:s14+$0xFFFFFFF0]  }
.LBB2_5:
0x55: {  	p0 =	sne.s32 s16, $0x13C0;
	v2 =	vld [tilespmem:s17+$0x2900]  }
0x56: {  	v3 =	vld [tilespmem:s14+$0xFFFFFFD0]  }
0x57: {  	v4 =	vld [tilespmem:s14+$0xFFFFFFC0]  }
0x58: {  	v5 =	vld [tilespmem:s14+$0xFFFFFFE0]  }
0x59: {  	v6 =	vld [tilespmem:s14+$0x30]  }
0x5a: {  	v7 =	vbroadcast v2, $0x0;
	v8 =	vbroadcast v2, $0x1;
	v9 =	vld [tilespmem:s14+$0x10]  }
0x5b: {  	v10 =	vbroadcast v2, $0x2;
	v11 =	vbroadcast v2, $0x3;
	v12 =	vld [tilespmem:s14+$0x0]  }
0x5c: {  	v4 =	vmul.f32 v7, v4;
	v3 =	vmul.f32 v3, v8;
	v7 =	vld [tilespmem:s14+$0x20]  }
0x5d: {  	v1 =	vmul.f32 v1, v11;
	v5 =	vmul.f32 v5, v10  }
0x5e: {  	v8 =	vbroadcast v2, $0x5;
	[tilespmem:s14+$0xFFFFFFC0] =	vst v4;
	v4 =	vbroadcast v2, $0x4  }
0x5f: {  	[tilespmem:s14+$0xFFFFFFD0] =	vst v3;
	v3 =	vbroadcast v2, $0x6;
	v2 =	vbroadcast v2, $0x7  }
0x60: {  	[tilespmem:s14+$0xFFFFFFE0] =	vst v5;
	v4 =	vmul.f32 v12, v4;
	v5 =	vmul.f32 v9, v8  }
.Ltmp1:
0x61: {  	[tilespmem:s14+$0xFFFFFFF0] =	vst v1;
	v1 =	vmul.f32 v7, v3;
	v2 =	vmul.f32 v6, v2;
	(pc) =	sbr.rel @p0 .LBB2_5-.Ltmp1, $4  }
0x62: {  	[tilespmem:s14+$0x0] =	vst v4  }
0x63: {  	[tilespmem:s14+$0x10] =	vst v5  }
0x64: {  	s14 =	sadd.s32 $0x80, s14;
	[tilespmem:s15+$0x20] =	vst v1  }
0x65: {  	s17 =	sshra.s32 s16, $0x2;
	s16 =	sadd.s32 $0x40, s16;
	v1 =	vld [tilespmem:s14+$0xFFFFFFF0];
	[tilespmem:s15+$0x30] =	vst v2;
	s15 =	smov.u32 s14  }
0x66: {  	v2 =	vld [tilespmem:s17+$0x2900];
	_ =	sdelay $0x1  }
0x67: {  	v3 =	vld [tilespmem:s14+$0xFFFFFFC0]  }
0x68: {  	v4 =	vld [tilespmem:s14+$0xFFFFFFD0]  }
0x69: {  	v5 =	vld [tilespmem:s14+$0xFFFFFFE0]  }
0x6a: {  	v6 =	vbroadcast v2, $0x0  }
0x6b: {  	v9 =	vld [tilespmem:s14+$0x10];
	v7 =	vbroadcast v2, $0x1  }
0x6c: {  	v8 =	vld [tilespmem:s14+$0x0];
	v10 =	vbroadcast v2, $0x2;
	v3 =	vmul.f32 v6, v3  }
0x6d: {  	v60 =	vld [tilespmem:s14+$0x20];
	v59 =	vbroadcast v2, $0x3;
	v4 =	vmul.f32 v4, v7  }
0x6e: {  	v11 =	vld [tilespmem:s14+$0x30];
	v61 =	vbroadcast v2, $0x5;
	v5 =	vmul.f32 v5, v10;
	[tilespmem:s14+$0xFFFFFFC0] =	vst v3  }
0x6f: {  	v1 =	vmul.f32 v1, v59;
	v3 =	vbroadcast v2, $0x4;
	[tilespmem:s14+$0xFFFFFFD0] =	vst v4  }
0x70: {  	v62 =	vbroadcast v2, $0x6;
	v63 =	vmul.f32 v9, v61;
	[tilespmem:s14+$0xFFFFFFE0] =	vst v5  }
0x71: {  	v2 =	vbroadcast v2, $0x7;
	[tilespmem:s14+$0xFFFFFFF0] =	vst v1;
	v3 =	vmul.f32 v8, v3  }
0x72: {  	v1 =	vmul.f32 v60, v62;
	[tilespmem:s14+$0x10] =	vst v63  }
0x73: {  	s4 =	sadd.s32 $0x1, s4;
	v2 =	vmul.f32 v11, v2;
	[tilespmem:s14+$0x0] =	vst v3  }
0x74: {  	p0 =	sne.s32 s4, $0x7D;
	[tilespmem:s15+$0x20] =	vst v1  }
.Ltmp2:
0x75: {  	[tilespmem:s15+$0x30] =	vst v2;
	(pc) =	sbr.rel @p0 .LBB2_4-.Ltmp2, $4  }
0x76: {  	[spmem:s2] =	stream.indirect.scatter.add.f32 [tilespmem:s25], [sflag:$0x5], $0x80, s3, s24, $0xb8;
	[tilespmem:$0x1AE00] =	vst v63  }
0x77: {  	_ =	swait.ge [sflag:s21], $0x2800  }
0x78: {  	[sflag:s21] =	ssyncset.done $0x0  }
0x79: {  	[sflag:s21] =	ssyncadd.s32 $0xFFFFD800  }
0x7a: {  	s0 =	stileid.u32  }
0x7b: {  	[bflag:$0x0] =	sbarrier.arrive $0xFFFF;
	s0 =	sshll.u32 s0, $0x6  }
0x7c: {  	s4 =	sshrl.u32 s8, $0x3;
	s14 =	rddreg [dreg:$0x4];
	s0 =	sor.u32 $0x1C05, s0  }
0x7d: {  	[hbm:s14], [sflag:s0] =	dma.local [spmem:s4], $0x800  }
0x7e: {  	_ =	swait.ge [sflag:s21], $0x800  }
0x7f: {  	[sflag:s21] =	ssyncset.done $0x0  }
0x80: {  	s14 =	sshrl.u32 s9, $0x3;
	s15 =	rddreg [dreg:$0x5];
	[sflag:s21] =	ssyncadd.s32 $0xFFFFF800  }
0x81: {  	[hbm:s15], [sflag:s0] =	dma.local [spmem:s14], $0x800  }
0x82: {  	_ =	swait.ge [sflag:s21], $0x800  }
0x83: {  	[sflag:s21] =	ssyncset.done $0x0  }
0x84: {  	s16 =	sshrl.u32 s10, $0x3;
	s17 =	rddreg [dreg:$0x6];
	[sflag:s21] =	ssyncadd.s32 $0xFFFFF800  }
0x85: {  	[hbm:s17], [sflag:s0] =	dma.local [spmem:s16], $0x800  }
0x86: {  	_ =	swait.ge [sflag:s21], $0x800  }
0x87: {  	[sflag:s21] =	ssyncset.done $0x0  }
0x88: {  	s15 =	sshrl.u32 s11, $0x3;
	s16 =	rddreg [dreg:$0x7];
	[sflag:s21] =	ssyncadd.s32 $0xFFFFF800  }
0x89: {  	[hbm:s16], [sflag:s0] =	dma.local [spmem:s15], $0x800  }
0x8a: {  	s31 =	sadd.s32 $0x1, s31;
	_ =	swait.ge [sflag:s21], $0x800  }
0x8b: {  	p0 =	sne.s32 s31, s19;
	[sflag:s21] =	ssyncset.done $0x0  }
.Ltmp3:
0x8c: {  	s17 =	sshrl.u32 s12, $0x3;
	[sflag:s21] =	ssyncadd.s32 $0xFFFFF800;
	(pc) =	sbr.rel @p0 .LBB2_1-.Ltmp3, $4  }
0x8d: {  	[hbm:s18], [sflag:s0] =	dma.local [spmem:s17], $0x800  }
0x8e: {  	_ =	swait.ge [sflag:s21], $0x800  }
0x8f: {  	[sflag:s21] =	ssyncset.done $0x0  }
0x90: {  	[sflag:s21] =	ssyncadd.s32 $0xFFFFF800  }
0x91: {  	_ =	sfence.sel $0x180000  }
0x92: {  	[bflag:$0x0] =	sbarrier.arrive $0xFFFF  }
0x93: {  	_ =	strace $0x9000004A  }
0x94: {  	s0 =	stileid.u32;
	[bflag:$0x2] =	sbarrier.arrive $0xFFFF  }
0x95: {  	p0 =	sne.s32 s0, $0x0;
	s0 =	rddreg [dreg:$0x3]  }
0x96: {  	s0 =	sadd.s32 @!p0 $0x100000, s0  }
0x97: {  	[sflag:s0] =	ssyncadd.tile.s32 @!p0 $0x1;
	_ =	shalt  }
.Lfunc_end2:
_tile_overlayer_lowered:
.L_overlay_start_2:
0x98: {  	(tag) =	ssettag $0x2  }
0x99: {  	s0 =	rddreg [dreg:$0x0];
	s2 =	stileid.u32  }
0x9a: {  	s1 =	rddreg [dreg:$0x1];
	p0 =	sne.s32 s2, $0x0  }
0x9b: {  	s3 =	rddreg [dreg:$0x2];
	[bflag:$0x3] =	sbarrier.arrive $0xFFFF;
	s2 =	simm.s32 @!p0 $0x1C05  }
0x9c: {  	[timem:s3], [sflag:s2] =	dma.local @!p0 [hbm:s0], s1  }
0x9d: {  	s0 =	simm.s32 @!p0 $0x5  }
0x9e: {  	_ =	swait.ge @!p0 [sflag:s0], s1  }
0x9f: {  	s1 =	ssub.s32 @!p0 $0x0, s1;
	[sflag:s0] =	ssyncset.done @!p0 $0x0  }
0xa0: {  	[sflag:s0] =	ssyncadd.s32 @!p0 s1  }
0xa1: {  	[bflag:$0x3] =	sbarrier.arrive $0xFFFF  }
0xa2: {  	_ =	shalt  }

</sc_bundles>
